<compile_context>
chip_gen: v7x
topology: tpu7x:2x2x1
jax: 0.10.2.dev20260603
libtpu: 0.0.44.dev20260713+nightly
codegen_flags: <defaults>
</compile_context>

<pallas_src>
import functools

import jax
import jax.numpy as jnp
from jax import lax
from jax.experimental import pallas as pl
from jax.experimental.pallas import tpu as pltpu
from jax.experimental.pallas import tpu_sc as plsc

E = 20000
P = 320000
C_IN = 32
C_MID = 256
EMB = 32
LAT = 8
LONG = 8
MAXEL = 90
NB = 8
GROUPS = 4
SP = LAT * LONG

EB = 400

NSC = 2
NTILE = 16
RCHUNK = 51200
NPASS = 13
TPR = RCHUNK // NTILE
PTS_PER_TILE = 20480
PPAD = PTS_PER_TILE * NTILE
KPTS = 512
NCHUNKS = PTS_PER_TILE // KPTS
CAP = 4 * KPTS
CAPPAD = 2176
ROWS_OUT = NSC * NPASS * RCHUNK
E_PAD = ROWS_OUT // SP
FB = 128
ZROWS = 200
WROWS = 200


def _sc_scatter_kernel(x_hbm, pts_hbm, out_hbm, acc, gsem, ssem):
    pl.run_scoped(
        functools.partial(_sc_scatter_body, x_hbm, pts_hbm, out_hbm, acc,
                          gsem, ssem),
        pltpu.VMEM((9, KPTS), jnp.int32),
        pltpu.VMEM((CAPPAD,), jnp.int32),
        pltpu.VMEM((CAPPAD,), jnp.float32),
        pltpu.VMEM((CAPPAD,), jnp.int32),
        pltpu.VMEM((FB // 128, 128), jnp.int32),
        pltpu.VMEM((FB, C_IN), jnp.float32),
        pltpu.VMEM((ZROWS, C_IN), jnp.float32),
    )


def _sc_scatter_body(x_hbm, pts_hbm, out_hbm, acc, gsem, ssem,
                     sbufa, cidx, cdel, csrc, bidx, gbufa, zbuf):
    core = lax.axis_index("c")
    sub = lax.axis_index("s")
    lane = lax.iota(jnp.int32, 16)
    zf = jnp.zeros((16,), jnp.float32)

    def _init(v, _):
        zbuf[v // 2, pl.ds((v % 2) * 16, 16)] = zf
        return 0
    lax.fori_loop(0, ZROWS * 2, _init, 0)

    def _prefill(v, _):
        cidx[pl.ds(v * 16, 16)] = lane
        cdel[pl.ds(v * 16, 16)] = zf
        csrc[pl.ds(v * 16, 16)] = lane
        return 0
    lax.fori_loop(0, CAPPAD // 16, _prefill, 0)

    def _start_gather(b, gb):
        return pltpu.async_copy(x_hbm.at[csrc.at[pl.ds(b * FB, FB)]], gb, gsem)

    def _wait_gather(gb):
        pltpu.make_async_copy(x_hbm.at[csrc.at[pl.ds(0, FB)]], gb, gsem).wait()

    def _scale_scat(b, gb):
        def _scale(j, _):
            jv = jnp.full((16,), b * FB + j, jnp.int32)
            d = plsc.load_gather(cdel, [jv])
            gb[j, pl.ds(0, 16)] = gb[j, pl.ds(0, 16)] * d
            gb[j, pl.ds(16, 16)] = gb[j, pl.ds(16, 16)] * d
            return 0
        lax.fori_loop(0, FB, _scale, 0)
        def _cp(v, _):
            bidx[v // 8, pl.ds((v % 8) * 16, 16)] = cidx[pl.ds(b * FB + v * 16, 16)]
            return 0
        lax.fori_loop(0, FB // 16, _cp, 0)
        for k in range(FB // 128):
            pltpu.sync_copy(gb.at[pl.ds(k * 128, 128)],
                            acc.at[bidx.at[k]], add=True)

    def _start_stage(ci, sb):
        c = jnp.minimum(ci, NCHUNKS - 1)
        start = sub * PTS_PER_TILE + c * KPTS
        return pltpu.async_copy(pts_hbm.at[:, pl.ds(start, KPTS)], sb, ssem)

    def _wait_stage(sb):
        pltpu.make_async_copy(pts_hbm.at[:, pl.ds(0, KPTS)], sb, ssem).wait()

    def _scan_chunk(sb, lo):
        cursor = jnp.int32(0)
        for i in range(4):
            def _scan(v, cur, i=i):
                dest = sb[i, pl.ds(v * 16, 16)]
                rel = dest - lo
                m = (rel >= 0) & (rel < RCHUNK)
                plsc.store_compressed(cidx.at[pl.ds(cur, 16)], rel, mask=m)
                dlt = plsc.bitcast(sb[4 + i, pl.ds(v * 16, 16)], jnp.float32)
                plsc.store_compressed(cdel.at[pl.ds(cur, 16)], dlt, mask=m)
                plsc.store_compressed(csrc.at[pl.ds(cur, 16)],
                                      sb[8, pl.ds(v * 16, 16)], mask=m)
                cnt = plsc.all_reduce_population_count(m)
                return cur + cnt[0]
            cursor = lax.fori_loop(0, KPTS // 16, _scan, cursor)
        return cursor

    def _flush_all(cursor):
        nbat = (cursor + FB - 1) // FB
        def _fl(b, _):
            _start_gather(b, gbufa).wait()
            _scale_scat(b, gbufa)
            return 0
        lax.fori_loop(0, nbat, _fl, 0)

    def _restore(cursor):
        def _rst(v, _):
            cidx[pl.ds(v * 16, 16)] = lane
            cdel[pl.ds(v * 16, 16)] = zf
            csrc[pl.ds(v * 16, 16)] = lane
            return 0
        lax.fori_loop(0, (cursor + 15) // 16, _rst, 0)

    def _process(sb, lo):
        cursor = _scan_chunk(sb, lo)
        _flush_all(cursor)
        _restore(cursor)

    def _pass(p, _):
        chunk = p * NSC + core
        lo = chunk * RCHUNK
        def _zz(z, _):
            pltpu.sync_copy(zbuf, acc.at[pl.ds(sub * TPR + z * ZROWS, ZROWS), :])
            return 0
        lax.fori_loop(0, TPR // ZROWS, _zz, 0)
        plsc.subcore_barrier()

        def _chunk(ci, _):
            _start_stage(ci, sbufa).wait()
            _process(sbufa, lo)
            return 0
        lax.fori_loop(0, NCHUNKS, _chunk, 0)

        plsc.subcore_barrier()
        rowbase = chunk * RCHUNK + sub * TPR
        def _wb(t, _):
            g = t // (TPR // WROWS)
            z = t % (TPR // WROWS)
            pltpu.sync_copy(
                acc.at[pl.ds(sub * TPR + z * WROWS, WROWS), pl.ds(g * 8, 8)],
                out_hbm.at[g, pl.ds(rowbase + z * WROWS, WROWS), :])
            return 0
        lax.fori_loop(0, 4 * (TPR // WROWS), _wb, 0)
        plsc.subcore_barrier()
        return 0
    lax.fori_loop(0, NPASS, _pass, 0)


def _sc_scatter(x, proj_index, proj_delta, proj_src_index):
    npad = PPAD - P
    padi = jnp.broadcast_to((jnp.arange(npad, dtype=proj_index.dtype)
                             % RCHUNK)[None, :], (4, npad))
    pidx = jnp.concatenate([proj_index, padi], axis=1)
    pdel = jnp.concatenate([proj_delta,
                            jnp.zeros((4, npad), proj_delta.dtype)], axis=1)
    psrc = jnp.concatenate([proj_src_index,
                            jnp.arange(npad, dtype=proj_src_index.dtype) % E])
    pts = jnp.concatenate([pidx.astype(jnp.int32),
                           lax.bitcast_convert_type(pdel, jnp.int32),
                           psrc.astype(jnp.int32)[None, :]], axis=0)
    mesh = plsc.VectorSubcoreMesh(core_axis_name="c", subcore_axis_name="s")
    f = pl.kernel(
        _sc_scatter_kernel,
        mesh=mesh,
        compiler_params=pltpu.CompilerParams(use_tc_tiling_on_sc=False, needs_layout_passes=False),
        out_type=jax.ShapeDtypeStruct((4, ROWS_OUT, 8), jnp.float32),
        scratch_types=[
            pltpu.VMEM_SHARED((RCHUNK, C_IN), jnp.float32),
            pltpu.SemaphoreType.DMA,
            pltpu.SemaphoreType.DMA,
        ],
    )
    return f(x, pts)


def _relu(v):
    return jnp.maximum(v, 0.0)


def _dense_block(a0_ref, a1_ref, a2_ref, a3_ref, xd_ref, ohs_ref, oht_ref,
                 cw_ref, cb_ref, gnw_ref, gnb_ref,
                 d1w_ref, d1b_ref, d2w_ref, d2b_ref,
                 ms_ref, mt_ref, eb1_ref, eb2_ref,
                 f11w_ref, f11b_ref, f12w_ref, f12b_ref, f13w_ref, f13b_ref,
                 f21w_ref, f21b_ref, f22w_ref, f22b_ref, f23w_ref, f23b_ref,
                 out_ref):
    a_refs = (a0_ref, a1_ref, a2_ref, a3_ref)

    parts = []
    for g in range(GROUPS):
        yg = jnp.dot(a_refs[g][0], cw_ref[g],
                     preferred_element_type=jnp.float32)
        yg = _relu(yg + cb_ref[g][None, :])
        sg = yg[:, 0:64]
        for t in range(1, LONG):
            sg = sg + yg[:, 64 * t:64 * (t + 1)]
        parts.append(sg * (1.0 / LONG))

    normed = []
    for g in range(GROUPS):
        v = parts[g]
        mu = jnp.mean(v, axis=1, keepdims=True)
        c = v - mu
        var = jnp.mean(c * c, axis=1, keepdims=True)
        normed.append(c * jax.lax.rsqrt(var + 1e-5))
    h = jnp.concatenate(normed, axis=1)
    h = h * gnw_ref[...] + gnb_ref[...]

    logits_s = jnp.dot(ohs_ref[...], ms_ref[...],
                       preferred_element_type=jnp.float32)
    logits_t = jnp.dot(oht_ref[...], mt_ref[...],
                       preferred_element_type=jnp.float32)
    logits = logits_s + logits_t
    l1 = logits[:, 0:8] + eb1_ref[...]
    l2 = logits[:, 8:16] + eb2_ref[...]
    emb1 = jax.nn.softmax(l1, axis=1)
    emb2 = jax.nn.softmax(l2, axis=1)

    def embed(hin, emb, w1, b1, w2, b2, w3, b3):
        t1 = _relu(jnp.dot(hin, w1[...], preferred_element_type=jnp.float32)
                   + b1[...])
        t2 = _relu(jnp.dot(t1, w2[...], preferred_element_type=jnp.float32)
                   + b2[...])
        acc = t2[:, 0:256] * emb[:, 0:1]
        for nb in range(1, NB):
            acc = acc + t2[:, 256 * nb:256 * (nb + 1)] * emb[:, nb:nb + 1]
        return jnp.dot(acc, w3[...], preferred_element_type=jnp.float32) + b3[...]

    h = embed(h, emb1, f11w_ref, f11b_ref, f12w_ref, f12b_ref, f13w_ref, f13b_ref)

    xd = _relu(jnp.dot(xd_ref[...], d1w_ref[...],
                       preferred_element_type=jnp.float32) + d1b_ref[...])
    xd = jnp.dot(xd, d2w_ref[...], preferred_element_type=jnp.float32) + d2b_ref[...]

    h = _relu(h + xd)
    out_ref[...] = embed(h, emb2, f21w_ref, f21b_ref, f22w_ref, f22b_ref,
                         f23w_ref, f23b_ref)


def _dense_phase(A, x_dist, ohs, oht, CW, CB, gn_w, gn_b,
                 d1_w, d1_b, d2_w, d2_b, Ms, Mt, eb1, eb2,
                 e1w, e2w):
    nblk = E // EB
    full2 = lambda shape: pl.BlockSpec(shape, lambda i: (0, 0))
    full3 = lambda shape: pl.BlockSpec(shape, lambda i: (0, 0, 0))
    row = lambda w: pl.BlockSpec((EB, w), lambda i: (i, 0))
    agspec = lambda g: pl.BlockSpec((1, EB, 512), lambda i, g=g: (g, i, 0))

    in_specs = [
        agspec(0), agspec(1), agspec(2), agspec(3),
        row(256), row(128), row(128),
        full3((GROUPS, 512, 512)), full2((GROUPS, 512)),
        full2((1, 256)), full2((1, 256)),
        full2((256, 256)), full2((1, 256)), full2((256, 256)), full2((1, 256)),
        full2((128, 16)), full2((128, 16)), full2((1, 8)), full2((1, 8)),
    ]
    for _ in range(2):
        in_specs += [full2((256, 256)), full2((1, 256)),
                     full2((256, 2048)), full2((1, 2048)),
                     full2((256, 256)), full2((1, 256))]

    return pl.pallas_call(
        _dense_block,
        grid=(nblk,),
        in_specs=in_specs,
        out_specs=pl.BlockSpec((EB, 256), lambda i: (i, 0)),
        out_shape=jax.ShapeDtypeStruct((E, 256), jnp.float32),
    )(A, A, A, A, x_dist, ohs, oht, CW, CB, gn_w.reshape(1, 256), gn_b.reshape(1, 256),
      d1_w.T, d1_b.reshape(1, 256), d2_w.T, d2_b.reshape(1, 256),
      Ms, Mt, eb1.reshape(1, 8), eb2.reshape(1, 8), *e1w, *e2w)


def kernel(x, x_dist, source_element, target_element, proj_index, proj_delta,
           proj_src_index, conv1_w, conv1_b, gn_w, gn_b, d1_w, d1_b, d2_w, d2_b,
           e1_src, e1_tgt, e1_efc_w, e1_efc_b, e1_fc1_w, e1_fc1_b, e1_fc2_w,
           e1_fc2_b, e1_fc3_w, e1_fc3_b, e2_src, e2_tgt, e2_efc_w, e2_efc_b,
           e2_fc1_w, e2_fc1_b, e2_fc2_w, e2_fc2_b, e2_fc3_w, e2_fc3_b):
    A = _sc_scatter(x, proj_index, proj_delta,
                    proj_src_index).reshape(GROUPS, E_PAD, 512)

    W6 = conv1_w.reshape(GROUPS, 64, 8, 8, 8)
    jmap = (jnp.arange(8)[None, :] - jnp.arange(8)[:, None] + 4) % 8
    Wtm = W6[:, :, :, :, jmap]
    CW = Wtm.transpose(0, 3, 5, 2, 4, 1).reshape(GROUPS, 512, 512)
    CB = jnp.broadcast_to(conv1_b.reshape(GROUPS, 1, 64),
                          (GROUPS, 8, 64)).reshape(GROUPS, 512)

    M1s = e1_src @ e1_efc_w[:, :EMB].T
    M1t = e1_tgt @ e1_efc_w[:, EMB:].T
    M2s = e2_src @ e2_efc_w[:, :EMB].T
    M2t = e2_tgt @ e2_efc_w[:, EMB:].T
    Ms = jnp.pad(jnp.concatenate([M1s, M2s], axis=1), ((0, 128 - MAXEL), (0, 0)))
    Mt = jnp.pad(jnp.concatenate([M1t, M2t], axis=1), ((0, 128 - MAXEL), (0, 0)))

    el = jnp.arange(128, dtype=source_element.dtype)
    ohs = (source_element[:, None] == el[None, :]).astype(jnp.float32)
    oht = (target_element[:, None] == el[None, :]).astype(jnp.float32)

    e1w = (e1_fc1_w.T, e1_fc1_b.reshape(1, 256), e1_fc2_w.T,
           e1_fc2_b.reshape(1, 2048), e1_fc3_w.T, e1_fc3_b.reshape(1, 256))
    e2w = (e2_fc1_w.T, e2_fc1_b.reshape(1, 256), e2_fc2_w.T,
           e2_fc2_b.reshape(1, 2048), e2_fc3_w.T, e2_fc3_b.reshape(1, 256))

    return _dense_phase(A, x_dist, ohs, oht, CW, CB, gn_w, gn_b,
                        d1_w, d1_b, d2_w, d2_b, Ms, Mt, e1_efc_b, e2_efc_b,
                        e1w, e2w)

# --- scband reference (transcript-rebuilt; emitter-appended) ---
"""Pipeline reference for scband-message-block-31516470018578 (READ-ONLY COPY).

The authoritative reference and input builder live on the scoring server;
editing this copy changes nothing except your own understanding.
"""

import jax, jax.numpy as jnp
import numpy as np

E = 20000
P = 320000
C_IN = 32
C_MID = 256
C_OUT = 256
EMB = 32
LAT = 8
LONG = 8
MAXEL = 90
NB = 8
GROUPS = C_IN // 8


def _lin(k, o, i):
    s = 1.0 / np.sqrt(i)
    kw, kb = jax.random.split(k)
    w = jax.random.uniform(kw, (o, i), minval=-s, maxval=s, dtype=jnp.float32)
    b = jax.random.uniform(kb, (o,), minval=-s, maxval=s, dtype=jnp.float32)
    return w, b


def setup_inputs(seed: int = 0) -> dict:
    key = jax.random.key(seed)
    ks = jax.random.split(key, 32)
    inp = {}
    inp["x"] = jax.random.normal(ks[0], (E, C_IN), dtype=jnp.float32)
    inp["x_dist"] = jax.random.normal(ks[1], (E, C_MID), dtype=jnp.float32)
    inp["source_element"] = jax.random.randint(ks[2], (E,), 0, MAXEL)
    inp["target_element"] = jax.random.randint(ks[3], (E,), 0, MAXEL)
    inp["proj_index"] = jax.random.randint(ks[4], (4, P), 0, E * LAT * LONG)
    inp["proj_delta"] = jax.random.uniform(ks[5], (4, P), dtype=jnp.float32)
    inp["proj_src_index"] = jax.random.randint(ks[6], (P,), 0, E)
    s = 1.0 / np.sqrt((C_IN * LAT // GROUPS) * LONG)
    inp["conv1_w"] = jax.random.uniform(ks[7], (C_MID, C_IN * LAT // GROUPS, LONG), minval=-s, maxval=s, dtype=jnp.float32)
    inp["conv1_b"] = jax.random.uniform(ks[8], (C_MID,), minval=-s, maxval=s, dtype=jnp.float32)
    inp["gn_w"] = jnp.ones((C_MID,), dtype=jnp.float32)
    inp["gn_b"] = jnp.zeros((C_MID,), dtype=jnp.float32)
    inp["d1_w"], inp["d1_b"] = _lin(ks[9], C_MID, C_MID)
    inp["d2_w"], inp["d2_b"] = _lin(ks[10], C_MID, C_MID)
    for pfx, kk, cout in (("e1", 11, C_MID), ("e2", 18, C_OUT)):
        inp[pfx + "_src"] = jax.random.uniform(ks[kk], (MAXEL, EMB), minval=-1e-4, maxval=1e-4, dtype=jnp.float32)
        inp[pfx + "_tgt"] = jax.random.uniform(ks[kk + 1], (MAXEL, EMB), minval=-1e-4, maxval=1e-4, dtype=jnp.float32)
        inp[pfx + "_efc_w"], inp[pfx + "_efc_b"] = _lin(ks[kk + 2], NB, 2 * EMB)
        inp[pfx + "_fc1_w"], inp[pfx + "_fc1_b"] = _lin(ks[kk + 3], C_MID, C_MID)
        inp[pfx + "_fc2_w"], inp[pfx + "_fc2_b"] = _lin(ks[kk + 4], NB * C_MID, C_MID)
        inp[pfx + "_fc3_w"], inp[pfx + "_fc3_b"] = _lin(ks[kk + 5], cout, C_MID)
    return inp


def _act(x):
    return jax.nn.relu(x)


def _spinconv(x, proj_index, proj_delta, proj_src_index, conv1_w, conv1_b, gn_w, gn_b):
    out_size = x.shape[0]
    hc = x.shape[1]
    x_proj = jnp.zeros((out_size * LAT * LONG, hc), dtype=x.dtype)
    splat = x[proj_src_index]
    for i in range(4):
        x_proj = x_proj.at[proj_index[i]].add(splat * proj_delta[i][:, None])
    x_proj = x_proj.reshape(out_size, LAT * LONG, hc)
    x_proj = jnp.transpose(x_proj, (0, 2, 1))
    x_proj = x_proj.reshape(out_size, hc * LAT, LONG)
    pad = LONG // 2
    xp = jnp.concatenate([x_proj[:, :, -pad:], x_proj, x_proj[:, :, :pad]], axis=2)
    y = jax.lax.conv_general_dilated(xp, conv1_w, window_strides=(1,), padding="VALID", dimension_numbers=("NCH", "OIH", "NCH"), feature_group_count=GROUPS)
    y = y + conv1_b[None, :, None]
    y = _act(y)
    y = jnp.mean(y[:, :, 0:LONG], axis=2)
    y = y.reshape(out_size, C_MID)
    yr = y.reshape(out_size, GROUPS, C_MID // GROUPS)
    mean = jnp.mean(yr, axis=2, keepdims=True)
    var = jnp.var(yr, axis=2, keepdims=True)
    yr = (yr - mean) / jnp.sqrt(var + 1e-5)
    return yr.reshape(out_size, C_MID) * gn_w + gn_b


def _embed_block(x, src, tgt, src_emb, tgt_emb, efc_w, efc_b, fc1_w, fc1_b, fc2_w, fc2_b, fc3_w, fc3_b):
    emb = jnp.concatenate([src_emb[src], tgt_emb[tgt]], axis=1)
    emb = jax.nn.softmax(emb @ efc_w.T + efc_b, axis=1)
    h = _act(x @ fc1_w.T + fc1_b)
    h = _act(h @ fc2_w.T + fc2_b)
    h = jnp.sum(h.reshape(-1, NB, C_MID) * emb[:, :, None], axis=1)
    return h @ fc3_w.T + fc3_b


def reference(x, x_dist, source_element, target_element, proj_index, proj_delta, proj_src_index, conv1_w, conv1_b, gn_w, gn_b, d1_w, d1_b, d2_w, d2_b, e1_src, e1_tgt, e1_efc_w, e1_efc_b, e1_fc1_w, e1_fc1_b, e1_fc2_w, e1_fc2_b, e1_fc3_w, e1_fc3_b, e2_src, e2_tgt, e2_efc_w, e2_efc_b, e2_fc1_w, e2_fc1_b, e2_fc2_w, e2_fc2_b, e2_fc3_w, e2_fc3_b):
    h = _spinconv(x, proj_index, proj_delta, proj_src_index, conv1_w, conv1_b, gn_w, gn_b)
    h = _embed_block(h, source_element, target_element, e1_src, e1_tgt, e1_efc_w, e1_efc_b, e1_fc1_w, e1_fc1_b, e1_fc2_w, e1_fc2_b, e1_fc3_w, e1_fc3_b)
    xd = _act(x_dist @ d1_w.T + d1_b)
    xd = xd @ d2_w.T + d2_b
    h = _act(h + xd)
    return _embed_block(h, source_element, target_element, e2_src, e2_tgt, e2_efc_w, e2_efc_b, e2_fc1_w, e2_fc1_b, e2_fc2_w, e2_fc2_b, e2_fc3_w, e2_fc3_b)

if __name__ == "__main__":
    import jax
    _d = setup_inputs()
    print(jax.jit(kernel)(*tuple(_d.values())))

</pallas_src>

<mosaic_0001>
#map = affine_map<(d0, d1) -> (0, 0)>
#map1 = affine_map<(d0, d1) -> (0, 0, 0)>
module attributes {stable_mosaic.version = 14 : i64} {
  func.func @_sc_scatter_kernel(%arg0: i32, %arg1: i32, %arg2: memref<20000x32xf32, #tpu.memory_space<hbm>>, %arg3: memref<9x327680xi32, #tpu.memory_space<hbm>>, %arg4: memref<4x1331200x8xf32, #tpu.memory_space<hbm>>, %arg5: memref<51200x32xf32, #tpu.memory_space<vmem_shared>>, %arg6: memref<!tpu.dma_semaphore, #tpu.memory_space<semaphore_mem>>, %arg7: memref<!tpu.dma_semaphore, #tpu.memory_space<semaphore_mem>>) attributes {dimension_semantics = [#tpu.dimension_semantics<core_parallel>, #tpu.dimension_semantics<subcore_parallel>], iteration_bounds = array<i64: 2, 16>, scalar_prefetch = 0 : i64, scratch_operands = 3 : i64, tpu.core_type = #tpu.core_type<sc_vector_subcore>, window_params = [{transform_indices = #map}, {transform_indices = #map}, {transform_indices = #map1}]} {
    "tpu.region"() ({
      %run_scoped3A = memref.alloca() : memref<9x512xi32, #tpu.memory_space<vmem>>
      %run_scoped3A_0 = memref.alloca() : memref<2176xi32, #tpu.memory_space<vmem>>
      %run_scoped3A_1 = memref.alloca() : memref<2176xf32, #tpu.memory_space<vmem>>
      %run_scoped3A_2 = memref.alloca() : memref<2176xi32, #tpu.memory_space<vmem>>
      %run_scoped3A_3 = memref.alloca() : memref<1x128xi32, #tpu.memory_space<vmem>>
      %run_scoped3A_4 = memref.alloca() : memref<128x32xf32, #tpu.memory_space<vmem>>
      %run_scoped3A_5 = memref.alloca() : memref<200x32xf32, #tpu.memory_space<vmem>>
      %iota3A = tpu.iota {dimensions = array<i32: 0>} : vector<16xi32>
      %broadcast_in_dim3A = arith.constant 0.000000e+00 : f32
      %broadcast_in_dim3A_6 = vector.broadcast %broadcast_in_dim3A : f32 to vector<16xf32>
      %scan3A = arith.constant 0 : i32
      %scan3A_7 = arith.constant 0 : i32
      %scan3A_8 = arith.constant 400 : i32
      %scan3A_9 = arith.addi %scan3A_7, %scan3A_8 : i32
      %scan3A_10 = arith.constant 1 : i32
      %scan3A_11 = scf.for %scan3A_27 = %scan3A_7 to %scan3A_9 step %scan3A_10 iter_args(%scan3A_28 = %scan3A) -> (i32)  : i32 {
        %jit3A = arith.constant 2 : i32
        %div3A = arith.divsi %scan3A_27, %jit3A : i32
        %sign3A = arith.constant 0 : i32
        %sign3A_29 = arith.cmpi sgt, %scan3A_27, %sign3A : i32
        %sign3A_30 = arith.extui %sign3A_29 : i1 to i32
        %sign3A_31 = arith.constant 0 : i32
        %sign3A_32 = arith.cmpi slt, %scan3A_27, %sign3A_31 : i32
        %sign3A_33 = arith.extui %sign3A_32 : i1 to i32
        %sign3A_34 = arith.subi %sign3A_30, %sign3A_33 : i32
        %sign3A_35 = arith.constant 0 : i32
        %sign3A_36 = arith.cmpi sgt, %jit3A, %sign3A_35 : i32
        %sign3A_37 = arith.extui %sign3A_36 : i1 to i32
        %sign3A_38 = arith.constant 0 : i32
        %sign3A_39 = arith.cmpi slt, %jit3A, %sign3A_38 : i32
        %sign3A_40 = arith.extui %sign3A_39 : i1 to i32
        %sign3A_41 = arith.subi %sign3A_37, %sign3A_40 : i32
        %ne3A = arith.cmpi ne, %sign3A_34, %sign3A_41 : i32
        %rem3A = arith.remsi %scan3A_27, %jit3A : i32
        %ne3A_42 = arith.constant 0 : i32
        %ne3A_43 = arith.cmpi ne, %rem3A, %ne3A_42 : i32
        %and3A = arith.andi %ne3A, %ne3A_43 : i1
        %sub3A = arith.constant 1 : i32
        %sub3A_44 = arith.subi %div3A, %sub3A : i32
        %select_n3A = arith.select %and3A, %sub3A_44, %div3A : i32
        %jit3A_45 = arith.constant 2 : i32
        %eq3A = arith.constant 0 : i32
        %eq3A_46 = arith.cmpi eq, %jit3A_45, %eq3A : i32
        %jit3A_47 = arith.constant 1 : i32
        %select_n3A_48 = arith.select %eq3A_46, %jit3A_47, %jit3A_45 : i32
        %rem3A_49 = arith.remsi %scan3A_27, %select_n3A_48 : i32
        %ne3A_50 = arith.constant 0 : i32
        %ne3A_51 = arith.cmpi ne, %rem3A_49, %ne3A_50 : i32
        %lt3A = arith.constant 0 : i32
        %lt3A_52 = arith.cmpi slt, %rem3A_49, %lt3A : i32
        %lt3A_53 = arith.constant 0 : i32
        %lt3A_54 = arith.cmpi slt, %select_n3A_48, %lt3A_53 : i32
        %ne3A_55 = arith.xori %lt3A_52, %lt3A_54 : i1
        %and3A_56 = arith.andi %ne3A_55, %ne3A_51 : i1
        %add3A = arith.addi %rem3A_49, %select_n3A_48 : i32
        %select_n3A_57 = arith.select %and3A_56, %add3A, %rem3A_49 : i32
        %mul3A = arith.constant 16 : i32
        %mul3A_58 = arith.muli %select_n3A_57, %mul3A : i32
        %swap3A = arith.index_cast %select_n3A : i32 to index
        %swap3A_59 = arith.index_cast %mul3A_58 : i32 to index
        %swap3A_60 = tpu.vector_load %run_scoped3A_5[%swap3A, %swap3A_59] {strides = array<i32>} : memref<200x32xf32, #tpu.memory_space<vmem>>, vector<16xf32>,
        tpu.vector_store %run_scoped3A_5[%swap3A, %swap3A_59], %broadcast_in_dim3A_6 {strides = array<i32>} : memref<200x32xf32, #tpu.memory_space<vmem>>, vector<16xf32>,
        %scan3A_61 = arith.constant 0 : i32
        scf.yield %scan3A_61 : i32
      }
      %scan3A_12 = arith.constant 400 : i32
      %scan3A_13 = arith.constant 0 : i32
      %scan3A_14 = arith.constant 0 : i32
      %scan3A_15 = arith.constant 136 : i32
      %scan3A_16 = arith.addi %scan3A_14, %scan3A_15 : i32
      %scan3A_17 = arith.constant 1 : i32
      %scan3A_18 = scf.for %scan3A_27 = %scan3A_14 to %scan3A_16 step %scan3A_17 iter_args(%scan3A_28 = %scan3A_13) -> (i32)  : i32 {
        %mul3A = arith.constant 16 : i32
        %mul3A_29 = arith.muli %scan3A_27, %mul3A : i32
        %swap3A = arith.index_cast %mul3A_29 : i32 to index
        %swap3A_30 = tpu.vector_load %run_scoped3A_0[%swap3A] {strides = array<i32>} : memref<2176xi32, #tpu.memory_space<vmem>>, vector<16xi32>,
        tpu.vector_store %run_scoped3A_0[%swap3A], %iota3A {strides = array<i32>} : memref<2176xi32, #tpu.memory_space<vmem>>, vector<16xi32>,
        %mul3A_31 = arith.constant 16 : i32
        %mul3A_32 = arith.muli %scan3A_27, %mul3A_31 : i32
        %swap3A_33 = arith.index_cast %mul3A_32 : i32 to index
        %swap3A_34 = tpu.vector_load %run_scoped3A_1[%swap3A_33] {strides = array<i32>} : memref<2176xf32, #tpu.memory_space<vmem>>, vector<16xf32>,
        tpu.vector_store %run_scoped3A_1[%swap3A_33], %broadcast_in_dim3A_6 {strides = array<i32>} : memref<2176xf32, #tpu.memory_space<vmem>>, vector<16xf32>,
        %mul3A_35 = arith.constant 16 : i32
        %mul3A_36 = arith.muli %scan3A_27, %mul3A_35 : i32
        %swap3A_37 = arith.index_cast %mul3A_36 : i32 to index
        %swap3A_38 = tpu.vector_load %run_scoped3A_2[%swap3A_37] {strides = array<i32>} : memref<2176xi32, #tpu.memory_space<vmem>>, vector<16xi32>,
        tpu.vector_store %run_scoped3A_2[%swap3A_37], %iota3A {strides = array<i32>} : memref<2176xi32, #tpu.memory_space<vmem>>, vector<16xi32>,
        %scan3A_39 = arith.constant 0 : i32
        scf.yield %scan3A_39 : i32
      }
      %scan3A_19 = arith.constant 136 : i32
      %scan3A_20 = arith.constant 0 : i32
      %scan3A_21 = arith.constant 0 : i32
      %scan3A_22 = arith.constant 13 : i32
      %scan3A_23 = arith.addi %scan3A_21, %scan3A_22 : i32
      %scan3A_24 = arith.constant 1 : i32
      %scan3A_25 = scf.for %scan3A_27 = %scan3A_21 to %scan3A_23 step %scan3A_24 iter_args(%scan3A_28 = %scan3A_20) -> (i32)  : i32 {
        %mul3A = arith.constant 2 : i32
        %mul3A_29 = arith.muli %scan3A_27, %mul3A : i32
        %add3A = arith.addi %mul3A_29, %arg0 : i32
        %mul3A_30 = arith.constant 51200 : i32
        %mul3A_31 = arith.muli %add3A, %mul3A_30 : i32
        %scan3A_32 = arith.constant 0 : i32
        %scan3A_33 = arith.constant 0 : i32
        %scan3A_34 = arith.constant 16 : i32
        %scan3A_35 = arith.addi %scan3A_33, %scan3A_34 : i32
        %scan3A_36 = arith.constant 1 : i32
        %scan3A_37 = scf.for %scan3A_61 = %scan3A_33 to %scan3A_35 step %scan3A_36 iter_args(%scan3A_62 = %scan3A_32) -> (i32)  : i32 {
          %mul3A_63 = arith.constant 3200 : i32
          %mul3A_64 = arith.muli %arg1, %mul3A_63 : i32
          %mul3A_65 = arith.constant 200 : i32
          %mul3A_66 = arith.muli %scan3A_61, %mul3A_65 : i32
          %add3A_67 = arith.addi %mul3A_64, %mul3A_66 : i32
          "tpu.region"() ({
            %run_scoped3A_69 = tpu.sem_alloc : memref<!tpu.dma_semaphore, #tpu.memory_space<semaphore_mem>>
            %dma_start3A = arith.constant 0 : i32
            %dma_start3A_70 = tpu.memref_slice %arg5[%add3A_67, %dma_start3A] : memref<51200x32xf32, #tpu.memory_space<vmem_shared>> -> memref<200x32xf32, #tpu.memory_space<vmem_shared>>
            %dma_start3A_71 = arith.constant 0 : i32
            %dma_start3A_72 = tpu.memref_slice %arg5[%add3A_67, %dma_start3A_71] : memref<51200x32xf32, #tpu.memory_space<vmem_shared>> -> memref<200x32xf32, #tpu.memory_space<vmem_shared>>
            tpu.enqueue_dma source(%run_scoped3A_5 : memref<200x32xf32, #tpu.memory_space<vmem>>) target(%dma_start3A_72 : memref<200x32xf32, #tpu.memory_space<vmem_shared>>) target_semaphore(%run_scoped3A_69 : memref<!tpu.dma_semaphore, #tpu.memory_space<semaphore_mem>>)
            %dma_wait3A = arith.constant 0 : i32
            %dma_wait3A_73 = tpu.memref_slice %arg5[%add3A_67, %dma_wait3A] : memref<51200x32xf32, #tpu.memory_space<vmem_shared>> -> memref<200x32xf32, #tpu.memory_space<vmem_shared>>
            %dma_wait3A_74 = arith.constant 0 : i32
            %dma_wait3A_75 = tpu.memref_slice %arg5[%add3A_67, %dma_wait3A_74] : memref<51200x32xf32, #tpu.memory_space<vmem_shared>> -> memref<200x32xf32, #tpu.memory_space<vmem_shared>>
            tpu.wait_dma2 semaphore(%run_scoped3A_69 : memref<!tpu.dma_semaphore, #tpu.memory_space<semaphore_mem>>) src(%run_scoped3A_5 : memref<200x32xf32, #tpu.memory_space<vmem>>) dst(%dma_wait3A_75 : memref<200x32xf32, #tpu.memory_space<vmem_shared>>)
            tpu.yield
          }) : () -> ()
          %scan3A_68 = arith.constant 0 : i32
          scf.yield %scan3A_68 : i32
        }
        %scan3A_38 = arith.constant 16 : i32
        %barrier3A = arith.constant 0 : index
        tpu.barrier barrier_id(%barrier3A)
        %scan3A_39 = arith.constant 0 : i32
        %scan3A_40 = arith.constant 0 : i32
        %scan3A_41 = arith.constant 40 : i32
        %scan3A_42 = arith.addi %scan3A_40, %scan3A_41 : i32
        %scan3A_43 = arith.constant 1 : i32
        %scan3A_44 = scf.for %scan3A_61 = %scan3A_40 to %scan3A_42 step %scan3A_43 iter_args(%scan3A_62 = %scan3A_39) -> (i32)  : i32 {
          %min3A = arith.constant 39 : i32
          %min3A_63 = arith.minsi %scan3A_61, %min3A : i32
          %mul3A_64 = arith.constant 20480 : i32
          %mul3A_65 = arith.muli %arg1, %mul3A_64 : i32
          %mul3A_66 = arith.constant 512 : i32
          %mul3A_67 = arith.muli %min3A_63, %mul3A_66 : i32
          %add3A_68 = arith.addi %mul3A_65, %mul3A_67 : i32
          %dma_start3A = arith.constant 0 : i32
          %dma_start3A_69 = tpu.memref_slice %arg3[%dma_start3A, %add3A_68] : memref<9x327680xi32, #tpu.memory_space<hbm>> -> memref<9x512xi32, #tpu.memory_space<hbm>>
          %dma_start3A_70 = arith.constant 0 : i32
          %dma_start3A_71 = tpu.memref_slice %arg3[%dma_start3A_70, %add3A_68] : memref<9x327680xi32, #tpu.memory_space<hbm>> -> memref<9x512xi32, #tpu.memory_space<hbm>>
          tpu.enqueue_dma source(%dma_start3A_71 : memref<9x512xi32, #tpu.memory_space<hbm>>) target(%run_scoped3A : memref<9x512xi32, #tpu.memory_space<vmem>>) target_semaphore(%arg7 : memref<!tpu.dma_semaphore, #tpu.memory_space<semaphore_mem>>)
          %dma_wait3A = arith.constant 0 : i32
          %dma_wait3A_72 = tpu.memref_slice %arg3[%dma_wait3A, %add3A_68] : memref<9x327680xi32, #tpu.memory_space<hbm>> -> memref<9x512xi32, #tpu.memory_space<hbm>>
          %dma_wait3A_73 = arith.constant 0 : i32
          %dma_wait3A_74 = tpu.memref_slice %arg3[%dma_wait3A_73, %add3A_68] : memref<9x327680xi32, #tpu.memory_space<hbm>> -> memref<9x512xi32, #tpu.memory_space<hbm>>
          tpu.wait_dma2 semaphore(%arg7 : memref<!tpu.dma_semaphore, #tpu.memory_space<semaphore_mem>>) src(%dma_wait3A_74 : memref<9x512xi32, #tpu.memory_space<hbm>>) dst(%run_scoped3A : memref<9x512xi32, #tpu.memory_space<vmem>>)
          %scan3A_75 = arith.constant 0 : i32
          %scan3A_76 = arith.constant 0 : i32
          %scan3A_77 = arith.constant 32 : i32
          %scan3A_78 = arith.addi %scan3A_76, %scan3A_77 : i32
          %scan3A_79 = arith.constant 1 : i32
          %scan3A_80 = scf.for %scan3A_170 = %scan3A_76 to %scan3A_78 step %scan3A_79 iter_args(%scan3A_171 = %scan3A_75) -> (i32)  : i32 {
            %mul3A_172 = arith.constant 16 : i32
            %mul3A_173 = arith.muli %scan3A_170, %mul3A_172 : i32
            %get3A = arith.constant 0 : i32
            %get3A_174 = arith.index_cast %get3A : i32 to index
            %get3A_175 = arith.index_cast %mul3A_173 : i32 to index
            %get3A_176 = tpu.vector_load %run_scoped3A[%get3A_174, %get3A_175] {strides = array<i32>} : memref<9x512xi32, #tpu.memory_space<vmem>>, vector<16xi32>,
            %sub3A_177 = vector.broadcast %mul3A_31 : i32 to vector<16xi32>
            %sub3A_178 = arith.subi %get3A_176, %sub3A_177 : vector<16xi32>
            %ge3A = arith.constant 0 : i32
            %ge3A_179 = vector.broadcast %ge3A : i32 to vector<16xi32>
            %ge3A_180 = arith.cmpi sge, %sub3A_178, %ge3A_179 : vector<16xi32>
            %lt3A = arith.constant 51200 : i32
            %lt3A_181 = vector.broadcast %lt3A : i32 to vector<16xi32>
            %lt3A_182 = arith.cmpi slt, %sub3A_178, %lt3A_181 : vector<16xi32>
            %and3A_183 = arith.andi %ge3A_180, %lt3A_182 : vector<16xi1>
            %swap3A = arith.index_cast %scan3A_171 : i32 to index
            %swap3A_184 = tpu.vector_load %run_scoped3A_0[%swap3A] masked %and3A_183 {strides = array<i32>} : memref<2176xi32, #tpu.memory_space<vmem>>, vector<16xi32>, vector<16xi1>
            tpu.vector_store %run_scoped3A_0[%swap3A], %sub3A_178 masked %and3A_183 {strides = array<i32>} : memref<2176xi32, #tpu.memory_space<vmem>>, vector<16xi32>, vector<16xi1>
            %mul3A_185 = arith.constant 16 : i32
            %mul3A_186 = arith.muli %scan3A_170, %mul3A_185 : i32
            %get3A_187 = arith.constant 4 : i32
            %get3A_188 = arith.index_cast %get3A_187 : i32 to index
            %get3A_189 = arith.index_cast %mul3A_186 : i32 to index
            %get3A_190 = tpu.vector_load %run_scoped3A[%get3A_188, %get3A_189] {strides = array<i32>} : memref<9x512xi32, #tpu.memory_space<vmem>>, vector<16xi32>,
            %bitcast3A = vector.bitcast %get3A_190 : vector<16xi32> to vector<16xf32>
            %swap3A_191 = arith.index_cast %scan3A_171 : i32 to index
            %swap3A_192 = tpu.vector_load %run_scoped3A_1[%swap3A_191] masked %and3A_183 {strides = array<i32>} : memref<2176xf32, #tpu.memory_space<vmem>>, vector<16xf32>, vector<16xi1>
            tpu.vector_store %run_scoped3A_1[%swap3A_191], %bitcast3A masked %and3A_183 {strides = array<i32>} : memref<2176xf32, #tpu.memory_space<vmem>>, vector<16xf32>, vector<16xi1>
            %mul3A_193 = arith.constant 16 : i32
            %mul3A_194 = arith.muli %scan3A_170, %mul3A_193 : i32
            %get3A_195 = arith.constant 8 : i32
            %get3A_196 = arith.index_cast %get3A_195 : i32 to index
            %get3A_197 = arith.index_cast %mul3A_194 : i32 to index
            %get3A_198 = tpu.vector_load %run_scoped3A[%get3A_196, %get3A_197] {strides = array<i32>} : memref<9x512xi32, #tpu.memory_space<vmem>>, vector<16xi32>,
            %swap3A_199 = arith.index_cast %scan3A_171 : i32 to index
            %swap3A_200 = tpu.vector_load %run_scoped3A_2[%swap3A_199] masked %and3A_183 {strides = array<i32>} : memref<2176xi32, #tpu.memory_space<vmem>>, vector<16xi32>, vector<16xi1>
            tpu.vector_store %run_scoped3A_2[%swap3A_199], %get3A_198 masked %and3A_183 {strides = array<i32>} : memref<2176xi32, #tpu.memory_space<vmem>>, vector<16xi32>, vector<16xi1>
            %all_reduce_population_count3A = tpu.all_reduce %and3A_183 {dim = 0 : i64, kind = #tpu.reduction_kind<sum>} : vector<16xi1> -> vector<16xi32>
            %slice3A = vector.extract_strided_slice %all_reduce_population_count3A {offsets = [0], sizes = [1], strides = [1]} : vector<16xi32> to vector<1xi32>
            %squeeze3A = vector.extract %slice3A[0] : i32 from vector<1xi32>
            %add3A_201 = arith.addi %scan3A_171, %squeeze3A : i32
            scf.yield %add3A_201 : i32
          }
          %scan3A_81 = arith.constant 32 : i32
          %scan3A_82 = arith.constant 0 : i32
          %scan3A_83 = arith.constant 32 : i32
          %scan3A_84 = arith.addi %scan3A_82, %scan3A_83 : i32
          %scan3A_85 = arith.constant 1 : i32
          %scan3A_86 = scf.for %scan3A_170 = %scan3A_82 to %scan3A_84 step %scan3A_85 iter_args(%scan3A_171 = %scan3A_80) -> (i32)  : i32 {
            %mul3A_172 = arith.constant 16 : i32
            %mul3A_173 = arith.muli %scan3A_170, %mul3A_172 : i32
            %get3A = arith.constant 1 : i32
            %get3A_174 = arith.index_cast %get3A : i32 to index
            %get3A_175 = arith.index_cast %mul3A_173 : i32 to index
            %get3A_176 = tpu.vector_load %run_scoped3A[%get3A_174, %get3A_175] {strides = array<i32>} : memref<9x512xi32, #tpu.memory_space<vmem>>, vector<16xi32>,
            %sub3A_177 = vector.broadcast %mul3A_31 : i32 to vector<16xi32>
            %sub3A_178 = arith.subi %get3A_176, %sub3A_177 : vector<16xi32>
            %ge3A = arith.constant 0 : i32
            %ge3A_179 = vector.broadcast %ge3A : i32 to vector<16xi32>
            %ge3A_180 = arith.cmpi sge, %sub3A_178, %ge3A_179 : vector<16xi32>
            %lt3A = arith.constant 51200 : i32
            %lt3A_181 = vector.broadcast %lt3A : i32 to vector<16xi32>
            %lt3A_182 = arith.cmpi slt, %sub3A_178, %lt3A_181 : vector<16xi32>
            %and3A_183 = arith.andi %ge3A_180, %lt3A_182 : vector<16xi1>
            %swap3A = arith.index_cast %scan3A_171 : i32 to index
            %swap3A_184 = tpu.vector_load %run_scoped3A_0[%swap3A] masked %and3A_183 {strides = array<i32>} : memref<2176xi32, #tpu.memory_space<vmem>>, vector<16xi32>, vector<16xi1>
            tpu.vector_store %run_scoped3A_0[%swap3A], %sub3A_178 masked %and3A_183 {strides = array<i32>} : memref<2176xi32, #tpu.memory_space<vmem>>, vector<16xi32>, vector<16xi1>
            %mul3A_185 = arith.constant 16 : i32
            %mul3A_186 = arith.muli %scan3A_170, %mul3A_185 : i32
            %get3A_187 = arith.constant 5 : i32
            %get3A_188 = arith.index_cast %get3A_187 : i32 to index
            %get3A_189 = arith.index_cast %mul3A_186 : i32 to index
            %get3A_190 = tpu.vector_load %run_scoped3A[%get3A_188, %get3A_189] {strides = array<i32>} : memref<9x512xi32, #tpu.memory_space<vmem>>, vector<16xi32>,
            %bitcast3A = vector.bitcast %get3A_190 : vector<16xi32> to vector<16xf32>
            %swap3A_191 = arith.index_cast %scan3A_171 : i32 to index
            %swap3A_192 = tpu.vector_load %run_scoped3A_1[%swap3A_191] masked %and3A_183 {strides = array<i32>} : memref<2176xf32, #tpu.memory_space<vmem>>, vector<16xf32>, vector<16xi1>
            tpu.vector_store %run_scoped3A_1[%swap3A_191], %bitcast3A masked %and3A_183 {strides = array<i32>} : memref<2176xf32, #tpu.memory_space<vmem>>, vector<16xf32>, vector<16xi1>
            %mul3A_193 = arith.constant 16 : i32
            %mul3A_194 = arith.muli %scan3A_170, %mul3A_193 : i32
            %get3A_195 = arith.constant 8 : i32
            %get3A_196 = arith.index_cast %get3A_195 : i32 to index
            %get3A_197 = arith.index_cast %mul3A_194 : i32 to index
            %get3A_198 = tpu.vector_load %run_scoped3A[%get3A_196, %get3A_197] {strides = array<i32>} : memref<9x512xi32, #tpu.memory_space<vmem>>, vector<16xi32>,
            %swap3A_199 = arith.index_cast %scan3A_171 : i32 to index
            %swap3A_200 = tpu.vector_load %run_scoped3A_2[%swap3A_199] masked %and3A_183 {strides = array<i32>} : memref<2176xi32, #tpu.memory_space<vmem>>, vector<16xi32>, vector<16xi1>
            tpu.vector_store %run_scoped3A_2[%swap3A_199], %get3A_198 masked %and3A_183 {strides = array<i32>} : memref<2176xi32, #tpu.memory_space<vmem>>, vector<16xi32>, vector<16xi1>
            %all_reduce_population_count3A = tpu.all_reduce %and3A_183 {dim = 0 : i64, kind = #tpu.reduction_kind<sum>} : vector<16xi1> -> vector<16xi32>
            %slice3A = vector.extract_strided_slice %all_reduce_population_count3A {offsets = [0], sizes = [1], strides = [1]} : vector<16xi32> to vector<1xi32>
            %squeeze3A = vector.extract %slice3A[0] : i32 from vector<1xi32>
            %add3A_201 = arith.addi %scan3A_171, %squeeze3A : i32
            scf.yield %add3A_201 : i32
          }
          %scan3A_87 = arith.constant 32 : i32
          %scan3A_88 = arith.constant 0 : i32
          %scan3A_89 = arith.constant 32 : i32
          %scan3A_90 = arith.addi %scan3A_88, %scan3A_89 : i32
          %scan3A_91 = arith.constant 1 : i32
          %scan3A_92 = scf.for %scan3A_170 = %scan3A_88 to %scan3A_90 step %scan3A_91 iter_args(%scan3A_171 = %scan3A_86) -> (i32)  : i32 {
            %mul3A_172 = arith.constant 16 : i32
            %mul3A_173 = arith.muli %scan3A_170, %mul3A_172 : i32
            %get3A = arith.constant 2 : i32
            %get3A_174 = arith.index_cast %get3A : i32 to index
            %get3A_175 = arith.index_cast %mul3A_173 : i32 to index
            %get3A_176 = tpu.vector_load %run_scoped3A[%get3A_174, %get3A_175] {strides = array<i32>} : memref<9x512xi32, #tpu.memory_space<vmem>>, vector<16xi32>,
            %sub3A_177 = vector.broadcast %mul3A_31 : i32 to vector<16xi32>
            %sub3A_178 = arith.subi %get3A_176, %sub3A_177 : vector<16xi32>
            %ge3A = arith.constant 0 : i32
            %ge3A_179 = vector.broadcast %ge3A : i32 to vector<16xi32>
            %ge3A_180 = arith.cmpi sge, %sub3A_178, %ge3A_179 : vector<16xi32>
            %lt3A = arith.constant 51200 : i32
            %lt3A_181 = vector.broadcast %lt3A : i32 to vector<16xi32>
            %lt3A_182 = arith.cmpi slt, %sub3A_178, %lt3A_181 : vector<16xi32>
            %and3A_183 = arith.andi %ge3A_180, %lt3A_182 : vector<16xi1>
            %swap3A = arith.index_cast %scan3A_171 : i32 to index
            %swap3A_184 = tpu.vector_load %run_scoped3A_0[%swap3A] masked %and3A_183 {strides = array<i32>} : memref<2176xi32, #tpu.memory_space<vmem>>, vector<16xi32>, vector<16xi1>
            tpu.vector_store %run_scoped3A_0[%swap3A], %sub3A_178 masked %and3A_183 {strides = array<i32>} : memref<2176xi32, #tpu.memory_space<vmem>>, vector<16xi32>, vector<16xi1>
            %mul3A_185 = arith.constant 16 : i32
            %mul3A_186 = arith.muli %scan3A_170, %mul3A_185 : i32
            %get3A_187 = arith.constant 6 : i32
            %get3A_188 = arith.index_cast %get3A_187 : i32 to index
            %get3A_189 = arith.index_cast %mul3A_186 : i32 to index
            %get3A_190 = tpu.vector_load %run_scoped3A[%get3A_188, %get3A_189] {strides = array<i32>} : memref<9x512xi32, #tpu.memory_space<vmem>>, vector<16xi32>,
            %bitcast3A = vector.bitcast %get3A_190 : vector<16xi32> to vector<16xf32>
            %swap3A_191 = arith.index_cast %scan3A_171 : i32 to index
            %swap3A_192 = tpu.vector_load %run_scoped3A_1[%swap3A_191] masked %and3A_183 {strides = array<i32>} : memref<2176xf32, #tpu.memory_space<vmem>>, vector<16xf32>, vector<16xi1>
            tpu.vector_store %run_scoped3A_1[%swap3A_191], %bitcast3A masked %and3A_183 {strides = array<i32>} : memref<2176xf32, #tpu.memory_space<vmem>>, vector<16xf32>, vector<16xi1>
            %mul3A_193 = arith.constant 16 : i32
            %mul3A_194 = arith.muli %scan3A_170, %mul3A_193 : i32
            %get3A_195 = arith.constant 8 : i32
            %get3A_196 = arith.index_cast %get3A_195 : i32 to index
            %get3A_197 = arith.index_cast %mul3A_194 : i32 to index
            %get3A_198 = tpu.vector_load %run_scoped3A[%get3A_196, %get3A_197] {strides = array<i32>} : memref<9x512xi32, #tpu.memory_space<vmem>>, vector<16xi32>,
            %swap3A_199 = arith.index_cast %scan3A_171 : i32 to index
            %swap3A_200 = tpu.vector_load %run_scoped3A_2[%swap3A_199] masked %and3A_183 {strides = array<i32>} : memref<2176xi32, #tpu.memory_space<vmem>>, vector<16xi32>, vector<16xi1>
            tpu.vector_store %run_scoped3A_2[%swap3A_199], %get3A_198 masked %and3A_183 {strides = array<i32>} : memref<2176xi32, #tpu.memory_space<vmem>>, vector<16xi32>, vector<16xi1>
            %all_reduce_population_count3A = tpu.all_reduce %and3A_183 {dim = 0 : i64, kind = #tpu.reduction_kind<sum>} : vector<16xi1> -> vector<16xi32>
            %slice3A = vector.extract_strided_slice %all_reduce_population_count3A {offsets = [0], sizes = [1], strides = [1]} : vector<16xi32> to vector<1xi32>
            %squeeze3A = vector.extract %slice3A[0] : i32 from vector<1xi32>
            %add3A_201 = arith.addi %scan3A_171, %squeeze3A : i32
            scf.yield %add3A_201 : i32
          }
          %scan3A_93 = arith.constant 32 : i32
          %scan3A_94 = arith.constant 0 : i32
          %scan3A_95 = arith.constant 32 : i32
          %scan3A_96 = arith.addi %scan3A_94, %scan3A_95 : i32
          %scan3A_97 = arith.constant 1 : i32
          %scan3A_98 = scf.for %scan3A_170 = %scan3A_94 to %scan3A_96 step %scan3A_97 iter_args(%scan3A_171 = %scan3A_92) -> (i32)  : i32 {
            %mul3A_172 = arith.constant 16 : i32
            %mul3A_173 = arith.muli %scan3A_170, %mul3A_172 : i32
            %get3A = arith.constant 3 : i32
            %get3A_174 = arith.index_cast %get3A : i32 to index
            %get3A_175 = arith.index_cast %mul3A_173 : i32 to index
            %get3A_176 = tpu.vector_load %run_scoped3A[%get3A_174, %get3A_175] {strides = array<i32>} : memref<9x512xi32, #tpu.memory_space<vmem>>, vector<16xi32>,
            %sub3A_177 = vector.broadcast %mul3A_31 : i32 to vector<16xi32>
            %sub3A_178 = arith.subi %get3A_176, %sub3A_177 : vector<16xi32>
            %ge3A = arith.constant 0 : i32
            %ge3A_179 = vector.broadcast %ge3A : i32 to vector<16xi32>
            %ge3A_180 = arith.cmpi sge, %sub3A_178, %ge3A_179 : vector<16xi32>
            %lt3A = arith.constant 51200 : i32
            %lt3A_181 = vector.broadcast %lt3A : i32 to vector<16xi32>
            %lt3A_182 = arith.cmpi slt, %sub3A_178, %lt3A_181 : vector<16xi32>
            %and3A_183 = arith.andi %ge3A_180, %lt3A_182 : vector<16xi1>
            %swap3A = arith.index_cast %scan3A_171 : i32 to index
            %swap3A_184 = tpu.vector_load %run_scoped3A_0[%swap3A] masked %and3A_183 {strides = array<i32>} : memref<2176xi32, #tpu.memory_space<vmem>>, vector<16xi32>, vector<16xi1>
            tpu.vector_store %run_scoped3A_0[%swap3A], %sub3A_178 masked %and3A_183 {strides = array<i32>} : memref<2176xi32, #tpu.memory_space<vmem>>, vector<16xi32>, vector<16xi1>
            %mul3A_185 = arith.constant 16 : i32
            %mul3A_186 = arith.muli %scan3A_170, %mul3A_185 : i32
            %get3A_187 = arith.constant 7 : i32
            %get3A_188 = arith.index_cast %get3A_187 : i32 to index
            %get3A_189 = arith.index_cast %mul3A_186 : i32 to index
            %get3A_190 = tpu.vector_load %run_scoped3A[%get3A_188, %get3A_189] {strides = array<i32>} : memref<9x512xi32, #tpu.memory_space<vmem>>, vector<16xi32>,
            %bitcast3A = vector.bitcast %get3A_190 : vector<16xi32> to vector<16xf32>
            %swap3A_191 = arith.index_cast %scan3A_171 : i32 to index
            %swap3A_192 = tpu.vector_load %run_scoped3A_1[%swap3A_191] masked %and3A_183 {strides = array<i32>} : memref<2176xf32, #tpu.memory_space<vmem>>, vector<16xf32>, vector<16xi1>
            tpu.vector_store %run_scoped3A_1[%swap3A_191], %bitcast3A masked %and3A_183 {strides = array<i32>} : memref<2176xf32, #tpu.memory_space<vmem>>, vector<16xf32>, vector<16xi1>
            %mul3A_193 = arith.constant 16 : i32
            %mul3A_194 = arith.muli %scan3A_170, %mul3A_193 : i32
            %get3A_195 = arith.constant 8 : i32
            %get3A_196 = arith.index_cast %get3A_195 : i32 to index
            %get3A_197 = arith.index_cast %mul3A_194 : i32 to index
            %get3A_198 = tpu.vector_load %run_scoped3A[%get3A_196, %get3A_197] {strides = array<i32>} : memref<9x512xi32, #tpu.memory_space<vmem>>, vector<16xi32>,
            %swap3A_199 = arith.index_cast %scan3A_171 : i32 to index
            %swap3A_200 = tpu.vector_load %run_scoped3A_2[%swap3A_199] masked %and3A_183 {strides = array<i32>} : memref<2176xi32, #tpu.memory_space<vmem>>, vector<16xi32>, vector<16xi1>
            tpu.vector_store %run_scoped3A_2[%swap3A_199], %get3A_198 masked %and3A_183 {strides = array<i32>} : memref<2176xi32, #tpu.memory_space<vmem>>, vector<16xi32>, vector<16xi1>
            %all_reduce_population_count3A = tpu.all_reduce %and3A_183 {dim = 0 : i64, kind = #tpu.reduction_kind<sum>} : vector<16xi1> -> vector<16xi32>
            %slice3A = vector.extract_strided_slice %all_reduce_population_count3A {offsets = [0], sizes = [1], strides = [1]} : vector<16xi32> to vector<1xi32>
            %squeeze3A = vector.extract %slice3A[0] : i32 from vector<1xi32>
            %add3A_201 = arith.addi %scan3A_171, %squeeze3A : i32
            scf.yield %add3A_201 : i32
          }
          %scan3A_99 = arith.constant 32 : i32
          %add3A_100 = arith.constant 128 : i32
          %add3A_101 = arith.addi %scan3A_98, %add3A_100 : i32
          %sub3A = arith.constant 1 : i32
          %sub3A_102 = arith.subi %add3A_101, %sub3A : i32
          %jit3A = arith.constant 128 : i32
          %div3A = arith.divsi %sub3A_102, %jit3A : i32
          %sign3A = arith.constant 0 : i32
          %sign3A_103 = arith.cmpi sgt, %sub3A_102, %sign3A : i32
          %sign3A_104 = arith.extui %sign3A_103 : i1 to i32
          %sign3A_105 = arith.constant 0 : i32
          %sign3A_106 = arith.cmpi slt, %sub3A_102, %sign3A_105 : i32
          %sign3A_107 = arith.extui %sign3A_106 : i1 to i32
          %sign3A_108 = arith.subi %sign3A_104, %sign3A_107 : i32
          %sign3A_109 = arith.constant 0 : i32
          %sign3A_110 = arith.cmpi sgt, %jit3A, %sign3A_109 : i32
          %sign3A_111 = arith.extui %sign3A_110 : i1 to i32
          %sign3A_112 = arith.constant 0 : i32
          %sign3A_113 = arith.cmpi slt, %jit3A, %sign3A_112 : i32
          %sign3A_114 = arith.extui %sign3A_113 : i1 to i32
          %sign3A_115 = arith.subi %sign3A_111, %sign3A_114 : i32
          %ne3A = arith.cmpi ne, %sign3A_108, %sign3A_115 : i32
          %rem3A = arith.remsi %sub3A_102, %jit3A : i32
          %ne3A_116 = arith.constant 0 : i32
          %ne3A_117 = arith.cmpi ne, %rem3A, %ne3A_116 : i32
          %and3A = arith.andi %ne3A, %ne3A_117 : i1
          %sub3A_118 = arith.constant 1 : i32
          %sub3A_119 = arith.subi %div3A, %sub3A_118 : i32
          %select_n3A = arith.select %and3A, %sub3A_119, %div3A : i32
          %while3A = arith.constant 0 : i32
          %while3A_120 = arith.constant 0 : i32
          %while3A_121 = arith.subi %select_n3A, %while3A : i32
          %while3A_122 = arith.addi %while3A, %while3A_121 : i32
          %while3A_123 = arith.constant 1 : i32
          %while3A_124 = arith.divsi %while3A_121, %while3A_123 : i32
          %while3A_125 = arith.muli %while3A_124, %while3A_123 : i32
          %while3A_126 = arith.addi %while3A, %while3A_125 : i32
          %while3A_127 = arith.constant 1 : i32
          %while3A_128 = scf.for %while3A_170 = %while3A to %while3A_126 step %while3A_127 iter_args(%while3A_171 = %while3A_120) -> (i32)  : i32 {
            %mul3A_172 = arith.constant 128 : i32
            %mul3A_173 = arith.muli %while3A_170, %mul3A_172 : i32
            %dma_start3A_174 = tpu.memref_slice %run_scoped3A_2[%mul3A_173] : memref<2176xi32, #tpu.memory_space<vmem>> -> memref<128xi32, #tpu.memory_space<vmem>>
            %dma_start3A_175 = arith.constant 0 : i32
            %dma_start3A_176 = arith.constant 0 : i32
            %dma_start3A_177 = tpu.memref_slice %arg2[%dma_start3A_175, %dma_start3A_176] : memref<20000x32xf32, #tpu.memory_space<hbm>> -> memref<20000x32xf32, #tpu.memory_space<hbm>>
            tpu.enqueue_indirect_dma source(%dma_start3A_177 : memref<20000x32xf32, #tpu.memory_space<hbm>>) target(%run_scoped3A_4 : memref<128x32xf32, #tpu.memory_space<vmem>>) offsets(%dma_start3A_174 : memref<128xi32, #tpu.memory_space<vmem>>) semaphore(%arg6 : memref<!tpu.dma_semaphore, #tpu.memory_space<semaphore_mem>>)
            %dma_wait3A_178 = tpu.memref_slice %run_scoped3A_2[%mul3A_173] : memref<2176xi32, #tpu.memory_space<vmem>> -> memref<128xi32, #tpu.memory_space<vmem>>
            %dma_wait3A_179 = arith.constant 0 : i32
            %dma_wait3A_180 = arith.constant 0 : i32
            %dma_wait3A_181 = tpu.memref_slice %arg2[%dma_wait3A_179, %dma_wait3A_180] : memref<20000x32xf32, #tpu.memory_space<hbm>> -> memref<20000x32xf32, #tpu.memory_space<hbm>>
            tpu.wait_indirect_dma semaphore(%arg6 : memref<!tpu.dma_semaphore, #tpu.memory_space<semaphore_mem>>) src(%dma_wait3A_181 : memref<20000x32xf32, #tpu.memory_space<hbm>>) dst(%run_scoped3A_4 : memref<128x32xf32, #tpu.memory_space<vmem>>)
            %scan3A_182 = arith.constant 0 : i32
            %scan3A_183 = arith.constant 0 : i32
            %scan3A_184 = arith.constant 128 : i32
            %scan3A_185 = arith.addi %scan3A_183, %scan3A_184 : i32
            %scan3A_186 = arith.constant 1 : i32
            %scan3A_187 = scf.for %scan3A_198 = %scan3A_183 to %scan3A_185 step %scan3A_186 iter_args(%scan3A_199 = %scan3A_182) -> (i32)  : i32 {
              %mul3A_200 = arith.constant 128 : i32
              %mul3A_201 = arith.muli %while3A_170, %mul3A_200 : i32
              %add3A_202 = arith.addi %mul3A_201, %scan3A_198 : i32
              %broadcast_in_dim3A_203 = vector.broadcast %add3A_202 : i32 to vector<16xi32>
              %gather3A = tpu.vector_load_idx %run_scoped3A_1[%broadcast_in_dim3A_203] : memref<2176xf32, #tpu.memory_space<vmem>>[vector<16xi32>], vector<16xf32>,
              %get3A = arith.index_cast %scan3A_198 : i32 to index
              %get3A_204 = arith.constant 0 : index
              %get3A_205 = tpu.vector_load %run_scoped3A_4[%get3A, %get3A_204] {strides = array<i32>} : memref<128x32xf32, #tpu.memory_space<vmem>>, vector<16xf32>,
              %mul3A_206 = arith.mulf %get3A_205, %gather3A : vector<16xf32>
              %swap3A = arith.index_cast %scan3A_198 : i32 to index
              %swap3A_207 = arith.constant 0 : index
              %swap3A_208 = tpu.vector_load %run_scoped3A_4[%swap3A, %swap3A_207] {strides = array<i32>} : memref<128x32xf32, #tpu.memory_space<vmem>>, vector<16xf32>,
              tpu.vector_store %run_scoped3A_4[%swap3A, %swap3A_207], %mul3A_206 {strides = array<i32>} : memref<128x32xf32, #tpu.memory_space<vmem>>, vector<16xf32>,
              %get3A_209 = arith.index_cast %scan3A_198 : i32 to index
              %get3A_210 = arith.constant 16 : index
              %get3A_211 = tpu.vector_load %run_scoped3A_4[%get3A_209, %get3A_210] {strides = array<i32>} : memref<128x32xf32, #tpu.memory_space<vmem>>, vector<16xf32>,
              %mul3A_212 = arith.mulf %get3A_211, %gather3A : vector<16xf32>
              %swap3A_213 = arith.index_cast %scan3A_198 : i32 to index
              %swap3A_214 = arith.constant 16 : index
              %swap3A_215 = tpu.vector_load %run_scoped3A_4[%swap3A_213, %swap3A_214] {strides = array<i32>} : memref<128x32xf32, #tpu.memory_space<vmem>>, vector<16xf32>,
              tpu.vector_store %run_scoped3A_4[%swap3A_213, %swap3A_214], %mul3A_212 {strides = array<i32>} : memref<128x32xf32, #tpu.memory_space<vmem>>, vector<16xf32>,
              %scan3A_216 = arith.constant 0 : i32
              scf.yield %scan3A_216 : i32
            }
            %scan3A_188 = arith.constant 128 : i32
            %scan3A_189 = arith.constant 0 : i32
            %scan3A_190 = arith.constant 0 : i32
            %scan3A_191 = arith.constant 8 : i32
            %scan3A_192 = arith.addi %scan3A_190, %scan3A_191 : i32
            %scan3A_193 = arith.constant 1 : i32
            %scan3A_194 = scf.for %scan3A_198 = %scan3A_190 to %scan3A_192 step %scan3A_193 iter_args(%scan3A_199 = %scan3A_189) -> (i32)  : i32 {
              %mul3A_200 = arith.constant 128 : i32
              %mul3A_201 = arith.muli %while3A_170, %mul3A_200 : i32
              %mul3A_202 = arith.constant 16 : i32
              %mul3A_203 = arith.muli %scan3A_198, %mul3A_202 : i32
              %add3A_204 = arith.addi %mul3A_201, %mul3A_203 : i32
              %get3A = arith.index_cast %add3A_204 : i32 to index
              %get3A_205 = tpu.vector_load %run_scoped3A_0[%get3A] {strides = array<i32>} : memref<2176xi32, #tpu.memory_space<vmem>>, vector<16xi32>,
              %jit3A_206 = arith.constant 8 : i32
              %div3A_207 = arith.divsi %scan3A_198, %jit3A_206 : i32
              %sign3A_208 = arith.constant 0 : i32
              %sign3A_209 = arith.cmpi sgt, %scan3A_198, %sign3A_208 : i32
              %sign3A_210 = arith.extui %sign3A_209 : i1 to i32
              %sign3A_211 = arith.constant 0 : i32
              %sign3A_212 = arith.cmpi slt, %scan3A_198, %sign3A_211 : i32
              %sign3A_213 = arith.extui %sign3A_212 : i1 to i32
              %sign3A_214 = arith.subi %sign3A_210, %sign3A_213 : i32
              %sign3A_215 = arith.constant 0 : i32
              %sign3A_216 = arith.cmpi sgt, %jit3A_206, %sign3A_215 : i32
              %sign3A_217 = arith.extui %sign3A_216 : i1 to i32
              %sign3A_218 = arith.constant 0 : i32
              %sign3A_219 = arith.cmpi slt, %jit3A_206, %sign3A_218 : i32
              %sign3A_220 = arith.extui %sign3A_219 : i1 to i32
              %sign3A_221 = arith.subi %sign3A_217, %sign3A_220 : i32
              %ne3A_222 = arith.cmpi ne, %sign3A_214, %sign3A_221 : i32
              %rem3A_223 = arith.remsi %scan3A_198, %jit3A_206 : i32
              %ne3A_224 = arith.constant 0 : i32
              %ne3A_225 = arith.cmpi ne, %rem3A_223, %ne3A_224 : i32
              %and3A_226 = arith.andi %ne3A_222, %ne3A_225 : i1
              %sub3A_227 = arith.constant 1 : i32
              %sub3A_228 = arith.subi %div3A_207, %sub3A_227 : i32
              %select_n3A_229 = arith.select %and3A_226, %sub3A_228, %div3A_207 : i32
              %jit3A_230 = arith.constant 8 : i32
              %eq3A = arith.constant 0 : i32
              %eq3A_231 = arith.cmpi eq, %jit3A_230, %eq3A : i32
              %jit3A_232 = arith.constant 1 : i32
              %select_n3A_233 = arith.select %eq3A_231, %jit3A_232, %jit3A_230 : i32
              %rem3A_234 = arith.remsi %scan3A_198, %select_n3A_233 : i32
              %ne3A_235 = arith.constant 0 : i32
              %ne3A_236 = arith.cmpi ne, %rem3A_234, %ne3A_235 : i32
              %lt3A = arith.constant 0 : i32
              %lt3A_237 = arith.cmpi slt, %rem3A_234, %lt3A : i32
              %lt3A_238 = arith.constant 0 : i32
              %lt3A_239 = arith.cmpi slt, %select_n3A_233, %lt3A_238 : i32
              %ne3A_240 = arith.xori %lt3A_237, %lt3A_239 : i1
              %and3A_241 = arith.andi %ne3A_240, %ne3A_236 : i1
              %add3A_242 = arith.addi %rem3A_234, %select_n3A_233 : i32
              %select_n3A_243 = arith.select %and3A_241, %add3A_242, %rem3A_234 : i32
              %mul3A_244 = arith.constant 16 : i32
              %mul3A_245 = arith.muli %select_n3A_243, %mul3A_244 : i32
              %swap3A = arith.index_cast %select_n3A_229 : i32 to index
              %swap3A_246 = arith.index_cast %mul3A_245 : i32 to index
              %swap3A_247 = tpu.vector_load %run_scoped3A_3[%swap3A, %swap3A_246] {strides = array<i32>} : memref<1x128xi32, #tpu.memory_space<vmem>>, vector<16xi32>,
              tpu.vector_store %run_scoped3A_3[%swap3A, %swap3A_246], %get3A_205 {strides = array<i32>} : memref<1x128xi32, #tpu.memory_space<vmem>>, vector<16xi32>,
              %scan3A_248 = arith.constant 0 : i32
              scf.yield %scan3A_248 : i32
            }
            %scan3A_195 = arith.constant 8 : i32
            %run_scoped3A_196 = arith.constant 0 : i32
            "tpu.region"() ({
              %run_scoped3A_198 = tpu.sem_alloc : memref<!tpu.dma_semaphore, #tpu.memory_space<semaphore_mem>>
              %dma_start3A_199 = arith.constant 0 : i32
              %dma_start3A_200 = arith.constant 0 : i32
              %dma_start3A_201 = tpu.memref_slice %run_scoped3A_4[%dma_start3A_199, %dma_start3A_200] : memref<128x32xf32, #tpu.memory_space<vmem>> -> memref<128x32xf32, #tpu.memory_space<vmem>>
              %dma_start3A_202 = arith.constant 0 : i32
              %dma_start3A_203 = tpu.memref_slice %run_scoped3A_3[%run_scoped3A_196, %dma_start3A_202] : memref<1x128xi32, #tpu.memory_space<vmem>> -> memref<1x128xi32, #tpu.memory_space<vmem>>
              %dma_start3A_204 = tpu.memref_squeeze %dma_start3A_203 : memref<1x128xi32, #tpu.memory_space<vmem>> -> memref<128xi32, #tpu.memory_space<vmem>>
              %dma_start3A_205 = arith.constant 0 : i32
              %dma_start3A_206 = arith.constant 0 : i32
              %dma_start3A_207 = tpu.memref_slice %arg5[%dma_start3A_205, %dma_start3A_206] : memref<51200x32xf32, #tpu.memory_space<vmem_shared>> -> memref<51200x32xf32, #tpu.memory_space<vmem_shared>>
              tpu.enqueue_indirect_dma source(%dma_start3A_201 : memref<128x32xf32, #tpu.memory_space<vmem>>) target(%dma_start3A_207 : memref<51200x32xf32, #tpu.memory_space<vmem_shared>>) offsets(%dma_start3A_204 : memref<128xi32, #tpu.memory_space<vmem>>) semaphore(%run_scoped3A_198 : memref<!tpu.dma_semaphore, #tpu.memory_space<semaphore_mem>>) {add = true}
              %dma_wait3A_208 = arith.constant 0 : i32
              %dma_wait3A_209 = arith.constant 0 : i32
              %dma_wait3A_210 = tpu.memref_slice %run_scoped3A_4[%dma_wait3A_208, %dma_wait3A_209] : memref<128x32xf32, #tpu.memory_space<vmem>> -> memref<128x32xf32, #tpu.memory_space<vmem>>
              %dma_wait3A_211 = arith.constant 0 : i32
              %dma_wait3A_212 = tpu.memref_slice %run_scoped3A_3[%run_scoped3A_196, %dma_wait3A_211] : memref<1x128xi32, #tpu.memory_space<vmem>> -> memref<1x128xi32, #tpu.memory_space<vmem>>
              %dma_wait3A_213 = tpu.memref_squeeze %dma_wait3A_212 : memref<1x128xi32, #tpu.memory_space<vmem>> -> memref<128xi32, #tpu.memory_space<vmem>>
              %dma_wait3A_214 = arith.constant 0 : i32
              %dma_wait3A_215 = arith.constant 0 : i32
              %dma_wait3A_216 = tpu.memref_slice %arg5[%dma_wait3A_214, %dma_wait3A_215] : memref<51200x32xf32, #tpu.memory_space<vmem_shared>> -> memref<51200x32xf32, #tpu.memory_space<vmem_shared>>
              tpu.wait_indirect_dma semaphore(%run_scoped3A_198 : memref<!tpu.dma_semaphore, #tpu.memory_space<semaphore_mem>>) src(%dma_wait3A_210 : memref<128x32xf32, #tpu.memory_space<vmem>>) dst(%dma_wait3A_216 : memref<51200x32xf32, #tpu.memory_space<vmem_shared>>)
              tpu.yield
            }) : () -> ()
            %while3A_197 = arith.constant 0 : i32
            scf.yield %while3A_197 : i32
          }
          %while3A_129 = arith.constant 1 : i32
          %while3A_130 = scf.for %while3A_170 = %while3A_126 to %while3A_122 step %while3A_129 iter_args(%while3A_171 = %while3A_128) -> (i32)  : i32 {
            %mul3A_172 = arith.constant 128 : i32
            %mul3A_173 = arith.muli %while3A_170, %mul3A_172 : i32
            %dma_start3A_174 = tpu.memref_slice %run_scoped3A_2[%mul3A_173] : memref<2176xi32, #tpu.memory_space<vmem>> -> memref<128xi32, #tpu.memory_space<vmem>>
            %dma_start3A_175 = arith.constant 0 : i32
            %dma_start3A_176 = arith.constant 0 : i32
            %dma_start3A_177 = tpu.memref_slice %arg2[%dma_start3A_175, %dma_start3A_176] : memref<20000x32xf32, #tpu.memory_space<hbm>> -> memref<20000x32xf32, #tpu.memory_space<hbm>>
            tpu.enqueue_indirect_dma source(%dma_start3A_177 : memref<20000x32xf32, #tpu.memory_space<hbm>>) target(%run_scoped3A_4 : memref<128x32xf32, #tpu.memory_space<vmem>>) offsets(%dma_start3A_174 : memref<128xi32, #tpu.memory_space<vmem>>) semaphore(%arg6 : memref<!tpu.dma_semaphore, #tpu.memory_space<semaphore_mem>>)
            %dma_wait3A_178 = tpu.memref_slice %run_scoped3A_2[%mul3A_173] : memref<2176xi32, #tpu.memory_space<vmem>> -> memref<128xi32, #tpu.memory_space<vmem>>
            %dma_wait3A_179 = arith.constant 0 : i32
            %dma_wait3A_180 = arith.constant 0 : i32
            %dma_wait3A_181 = tpu.memref_slice %arg2[%dma_wait3A_179, %dma_wait3A_180] : memref<20000x32xf32, #tpu.memory_space<hbm>> -> memref<20000x32xf32, #tpu.memory_space<hbm>>
            tpu.wait_indirect_dma semaphore(%arg6 : memref<!tpu.dma_semaphore, #tpu.memory_space<semaphore_mem>>) src(%dma_wait3A_181 : memref<20000x32xf32, #tpu.memory_space<hbm>>) dst(%run_scoped3A_4 : memref<128x32xf32, #tpu.memory_space<vmem>>)
            %scan3A_182 = arith.constant 0 : i32
            %scan3A_183 = arith.constant 0 : i32
            %scan3A_184 = arith.constant 128 : i32
            %scan3A_185 = arith.addi %scan3A_183, %scan3A_184 : i32
            %scan3A_186 = arith.constant 1 : i32
            %scan3A_187 = scf.for %scan3A_198 = %scan3A_183 to %scan3A_185 step %scan3A_186 iter_args(%scan3A_199 = %scan3A_182) -> (i32)  : i32 {
              %mul3A_200 = arith.constant 128 : i32
              %mul3A_201 = arith.muli %while3A_170, %mul3A_200 : i32
              %add3A_202 = arith.addi %mul3A_201, %scan3A_198 : i32
              %broadcast_in_dim3A_203 = vector.broadcast %add3A_202 : i32 to vector<16xi32>
              %gather3A = tpu.vector_load_idx %run_scoped3A_1[%broadcast_in_dim3A_203] : memref<2176xf32, #tpu.memory_space<vmem>>[vector<16xi32>], vector<16xf32>,
              %get3A = arith.index_cast %scan3A_198 : i32 to index
              %get3A_204 = arith.constant 0 : index
              %get3A_205 = tpu.vector_load %run_scoped3A_4[%get3A, %get3A_204] {strides = array<i32>} : memref<128x32xf32, #tpu.memory_space<vmem>>, vector<16xf32>,
              %mul3A_206 = arith.mulf %get3A_205, %gather3A : vector<16xf32>
              %swap3A = arith.index_cast %scan3A_198 : i32 to index
              %swap3A_207 = arith.constant 0 : index
              %swap3A_208 = tpu.vector_load %run_scoped3A_4[%swap3A, %swap3A_207] {strides = array<i32>} : memref<128x32xf32, #tpu.memory_space<vmem>>, vector<16xf32>,
              tpu.vector_store %run_scoped3A_4[%swap3A, %swap3A_207], %mul3A_206 {strides = array<i32>} : memref<128x32xf32, #tpu.memory_space<vmem>>, vector<16xf32>,
              %get3A_209 = arith.index_cast %scan3A_198 : i32 to index
              %get3A_210 = arith.constant 16 : index
              %get3A_211 = tpu.vector_load %run_scoped3A_4[%get3A_209, %get3A_210] {strides = array<i32>} : memref<128x32xf32, #tpu.memory_space<vmem>>, vector<16xf32>,
              %mul3A_212 = arith.mulf %get3A_211, %gather3A : vector<16xf32>
              %swap3A_213 = arith.index_cast %scan3A_198 : i32 to index
              %swap3A_214 = arith.constant 16 : index
              %swap3A_215 = tpu.vector_load %run_scoped3A_4[%swap3A_213, %swap3A_214] {strides = array<i32>} : memref<128x32xf32, #tpu.memory_space<vmem>>, vector<16xf32>,
              tpu.vector_store %run_scoped3A_4[%swap3A_213, %swap3A_214], %mul3A_212 {strides = array<i32>} : memref<128x32xf32, #tpu.memory_space<vmem>>, vector<16xf32>,
              %scan3A_216 = arith.constant 0 : i32
              scf.yield %scan3A_216 : i32
            }
            %scan3A_188 = arith.constant 128 : i32
            %scan3A_189 = arith.constant 0 : i32
            %scan3A_190 = arith.constant 0 : i32
            %scan3A_191 = arith.constant 8 : i32
            %scan3A_192 = arith.addi %scan3A_190, %scan3A_191 : i32
            %scan3A_193 = arith.constant 1 : i32
            %scan3A_194 = scf.for %scan3A_198 = %scan3A_190 to %scan3A_192 step %scan3A_193 iter_args(%scan3A_199 = %scan3A_189) -> (i32)  : i32 {
              %mul3A_200 = arith.constant 128 : i32
              %mul3A_201 = arith.muli %while3A_170, %mul3A_200 : i32
              %mul3A_202 = arith.constant 16 : i32
              %mul3A_203 = arith.muli %scan3A_198, %mul3A_202 : i32
              %add3A_204 = arith.addi %mul3A_201, %mul3A_203 : i32
              %get3A = arith.index_cast %add3A_204 : i32 to index
              %get3A_205 = tpu.vector_load %run_scoped3A_0[%get3A] {strides = array<i32>} : memref<2176xi32, #tpu.memory_space<vmem>>, vector<16xi32>,
              %jit3A_206 = arith.constant 8 : i32
              %div3A_207 = arith.divsi %scan3A_198, %jit3A_206 : i32
              %sign3A_208 = arith.constant 0 : i32
              %sign3A_209 = arith.cmpi sgt, %scan3A_198, %sign3A_208 : i32
              %sign3A_210 = arith.extui %sign3A_209 : i1 to i32
              %sign3A_211 = arith.constant 0 : i32
              %sign3A_212 = arith.cmpi slt, %scan3A_198, %sign3A_211 : i32
              %sign3A_213 = arith.extui %sign3A_212 : i1 to i32
              %sign3A_214 = arith.subi %sign3A_210, %sign3A_213 : i32
              %sign3A_215 = arith.constant 0 : i32
              %sign3A_216 = arith.cmpi sgt, %jit3A_206, %sign3A_215 : i32
              %sign3A_217 = arith.extui %sign3A_216 : i1 to i32
              %sign3A_218 = arith.constant 0 : i32
              %sign3A_219 = arith.cmpi slt, %jit3A_206, %sign3A_218 : i32
              %sign3A_220 = arith.extui %sign3A_219 : i1 to i32
              %sign3A_221 = arith.subi %sign3A_217, %sign3A_220 : i32
              %ne3A_222 = arith.cmpi ne, %sign3A_214, %sign3A_221 : i32
              %rem3A_223 = arith.remsi %scan3A_198, %jit3A_206 : i32
              %ne3A_224 = arith.constant 0 : i32
              %ne3A_225 = arith.cmpi ne, %rem3A_223, %ne3A_224 : i32
              %and3A_226 = arith.andi %ne3A_222, %ne3A_225 : i1
              %sub3A_227 = arith.constant 1 : i32
              %sub3A_228 = arith.subi %div3A_207, %sub3A_227 : i32
              %select_n3A_229 = arith.select %and3A_226, %sub3A_228, %div3A_207 : i32
              %jit3A_230 = arith.constant 8 : i32
              %eq3A = arith.constant 0 : i32
              %eq3A_231 = arith.cmpi eq, %jit3A_230, %eq3A : i32
              %jit3A_232 = arith.constant 1 : i32
              %select_n3A_233 = arith.select %eq3A_231, %jit3A_232, %jit3A_230 : i32
              %rem3A_234 = arith.remsi %scan3A_198, %select_n3A_233 : i32
              %ne3A_235 = arith.constant 0 : i32
              %ne3A_236 = arith.cmpi ne, %rem3A_234, %ne3A_235 : i32
              %lt3A = arith.constant 0 : i32
              %lt3A_237 = arith.cmpi slt, %rem3A_234, %lt3A : i32
              %lt3A_238 = arith.constant 0 : i32
              %lt3A_239 = arith.cmpi slt, %select_n3A_233, %lt3A_238 : i32
              %ne3A_240 = arith.xori %lt3A_237, %lt3A_239 : i1
              %and3A_241 = arith.andi %ne3A_240, %ne3A_236 : i1
              %add3A_242 = arith.addi %rem3A_234, %select_n3A_233 : i32
              %select_n3A_243 = arith.select %and3A_241, %add3A_242, %rem3A_234 : i32
              %mul3A_244 = arith.constant 16 : i32
              %mul3A_245 = arith.muli %select_n3A_243, %mul3A_244 : i32
              %swap3A = arith.index_cast %select_n3A_229 : i32 to index
              %swap3A_246 = arith.index_cast %mul3A_245 : i32 to index
              %swap3A_247 = tpu.vector_load %run_scoped3A_3[%swap3A, %swap3A_246] {strides = array<i32>} : memref<1x128xi32, #tpu.memory_space<vmem>>, vector<16xi32>,
              tpu.vector_store %run_scoped3A_3[%swap3A, %swap3A_246], %get3A_205 {strides = array<i32>} : memref<1x128xi32, #tpu.memory_space<vmem>>, vector<16xi32>,
              %scan3A_248 = arith.constant 0 : i32
              scf.yield %scan3A_248 : i32
            }
            %scan3A_195 = arith.constant 8 : i32
            %run_scoped3A_196 = arith.constant 0 : i32
            "tpu.region"() ({
              %run_scoped3A_198 = tpu.sem_alloc : memref<!tpu.dma_semaphore, #tpu.memory_space<semaphore_mem>>
              %dma_start3A_199 = arith.constant 0 : i32
              %dma_start3A_200 = arith.constant 0 : i32
              %dma_start3A_201 = tpu.memref_slice %run_scoped3A_4[%dma_start3A_199, %dma_start3A_200] : memref<128x32xf32, #tpu.memory_space<vmem>> -> memref<128x32xf32, #tpu.memory_space<vmem>>
              %dma_start3A_202 = arith.constant 0 : i32
              %dma_start3A_203 = tpu.memref_slice %run_scoped3A_3[%run_scoped3A_196, %dma_start3A_202] : memref<1x128xi32, #tpu.memory_space<vmem>> -> memref<1x128xi32, #tpu.memory_space<vmem>>
              %dma_start3A_204 = tpu.memref_squeeze %dma_start3A_203 : memref<1x128xi32, #tpu.memory_space<vmem>> -> memref<128xi32, #tpu.memory_space<vmem>>
              %dma_start3A_205 = arith.constant 0 : i32
              %dma_start3A_206 = arith.constant 0 : i32
              %dma_start3A_207 = tpu.memref_slice %arg5[%dma_start3A_205, %dma_start3A_206] : memref<51200x32xf32, #tpu.memory_space<vmem_shared>> -> memref<51200x32xf32, #tpu.memory_space<vmem_shared>>
              tpu.enqueue_indirect_dma source(%dma_start3A_201 : memref<128x32xf32, #tpu.memory_space<vmem>>) target(%dma_start3A_207 : memref<51200x32xf32, #tpu.memory_space<vmem_shared>>) offsets(%dma_start3A_204 : memref<128xi32, #tpu.memory_space<vmem>>) semaphore(%run_scoped3A_198 : memref<!tpu.dma_semaphore, #tpu.memory_space<semaphore_mem>>) {add = true}
              %dma_wait3A_208 = arith.constant 0 : i32
              %dma_wait3A_209 = arith.constant 0 : i32
              %dma_wait3A_210 = tpu.memref_slice %run_scoped3A_4[%dma_wait3A_208, %dma_wait3A_209] : memref<128x32xf32, #tpu.memory_space<vmem>> -> memref<128x32xf32, #tpu.memory_space<vmem>>
              %dma_wait3A_211 = arith.constant 0 : i32
              %dma_wait3A_212 = tpu.memref_slice %run_scoped3A_3[%run_scoped3A_196, %dma_wait3A_211] : memref<1x128xi32, #tpu.memory_space<vmem>> -> memref<1x128xi32, #tpu.memory_space<vmem>>
              %dma_wait3A_213 = tpu.memref_squeeze %dma_wait3A_212 : memref<1x128xi32, #tpu.memory_space<vmem>> -> memref<128xi32, #tpu.memory_space<vmem>>
              %dma_wait3A_214 = arith.constant 0 : i32
              %dma_wait3A_215 = arith.constant 0 : i32
              %dma_wait3A_216 = tpu.memref_slice %arg5[%dma_wait3A_214, %dma_wait3A_215] : memref<51200x32xf32, #tpu.memory_space<vmem_shared>> -> memref<51200x32xf32, #tpu.memory_space<vmem_shared>>
              tpu.wait_indirect_dma semaphore(%run_scoped3A_198 : memref<!tpu.dma_semaphore, #tpu.memory_space<semaphore_mem>>) src(%dma_wait3A_210 : memref<128x32xf32, #tpu.memory_space<vmem>>) dst(%dma_wait3A_216 : memref<51200x32xf32, #tpu.memory_space<vmem_shared>>)
              tpu.yield
            }) : () -> ()
            %while3A_197 = arith.constant 0 : i32
            scf.yield %while3A_197 : i32
          }
          %add3A_131 = arith.constant 15 : i32
          %add3A_132 = arith.addi %scan3A_98, %add3A_131 : i32
          %jit3A_133 = arith.constant 16 : i32
          %div3A_134 = arith.divsi %add3A_132, %jit3A_133 : i32
          %sign3A_135 = arith.constant 0 : i32
          %sign3A_136 = arith.cmpi sgt, %add3A_132, %sign3A_135 : i32
          %sign3A_137 = arith.extui %sign3A_136 : i1 to i32
          %sign3A_138 = arith.constant 0 : i32
          %sign3A_139 = arith.cmpi slt, %add3A_132, %sign3A_138 : i32
          %sign3A_140 = arith.extui %sign3A_139 : i1 to i32
          %sign3A_141 = arith.subi %sign3A_137, %sign3A_140 : i32
          %sign3A_142 = arith.constant 0 : i32
          %sign3A_143 = arith.cmpi sgt, %jit3A_133, %sign3A_142 : i32
          %sign3A_144 = arith.extui %sign3A_143 : i1 to i32
          %sign3A_145 = arith.constant 0 : i32
          %sign3A_146 = arith.cmpi slt, %jit3A_133, %sign3A_145 : i32
          %sign3A_147 = arith.extui %sign3A_146 : i1 to i32
          %sign3A_148 = arith.subi %sign3A_144, %sign3A_147 : i32
          %ne3A_149 = arith.cmpi ne, %sign3A_141, %sign3A_148 : i32
          %rem3A_150 = arith.remsi %add3A_132, %jit3A_133 : i32
          %ne3A_151 = arith.constant 0 : i32
          %ne3A_152 = arith.cmpi ne, %rem3A_150, %ne3A_151 : i32
          %and3A_153 = arith.andi %ne3A_149, %ne3A_152 : i1
          %sub3A_154 = arith.constant 1 : i32
          %sub3A_155 = arith.subi %div3A_134, %sub3A_154 : i32
          %select_n3A_156 = arith.select %and3A_153, %sub3A_155, %div3A_134 : i32
          %while3A_157 = arith.constant 0 : i32
          %while3A_158 = arith.constant 0 : i32
          %while3A_159 = arith.subi %select_n3A_156, %while3A_157 : i32
          %while3A_160 = arith.addi %while3A_157, %while3A_159 : i32
          %while3A_161 = arith.constant 1 : i32
          %while3A_162 = arith.divsi %while3A_159, %while3A_161 : i32
          %while3A_163 = arith.muli %while3A_162, %while3A_161 : i32
          %while3A_164 = arith.addi %while3A_157, %while3A_163 : i32
          %while3A_165 = arith.constant 1 : i32
          %while3A_166 = scf.for %while3A_170 = %while3A_157 to %while3A_164 step %while3A_165 iter_args(%while3A_171 = %while3A_158) -> (i32)  : i32 {
            %mul3A_172 = arith.constant 16 : i32
            %mul3A_173 = arith.muli %while3A_170, %mul3A_172 : i32
            %swap3A = arith.index_cast %mul3A_173 : i32 to index
            %swap3A_174 = tpu.vector_load %run_scoped3A_0[%swap3A] {strides = array<i32>} : memref<2176xi32, #tpu.memory_space<vmem>>, vector<16xi32>,
            tpu.vector_store %run_scoped3A_0[%swap3A], %iota3A {strides = array<i32>} : memref<2176xi32, #tpu.memory_space<vmem>>, vector<16xi32>,
            %mul3A_175 = arith.constant 16 : i32
            %mul3A_176 = arith.muli %while3A_170, %mul3A_175 : i32
            %swap3A_177 = arith.index_cast %mul3A_176 : i32 to index
            %swap3A_178 = tpu.vector_load %run_scoped3A_1[%swap3A_177] {strides = array<i32>} : memref<2176xf32, #tpu.memory_space<vmem>>, vector<16xf32>,
            tpu.vector_store %run_scoped3A_1[%swap3A_177], %broadcast_in_dim3A_6 {strides = array<i32>} : memref<2176xf32, #tpu.memory_space<vmem>>, vector<16xf32>,
            %mul3A_179 = arith.constant 16 : i32
            %mul3A_180 = arith.muli %while3A_170, %mul3A_179 : i32
            %swap3A_181 = arith.index_cast %mul3A_180 : i32 to index
            %swap3A_182 = tpu.vector_load %run_scoped3A_2[%swap3A_181] {strides = array<i32>} : memref<2176xi32, #tpu.memory_space<vmem>>, vector<16xi32>,
            tpu.vector_store %run_scoped3A_2[%swap3A_181], %iota3A {strides = array<i32>} : memref<2176xi32, #tpu.memory_space<vmem>>, vector<16xi32>,
            %while3A_183 = arith.constant 0 : i32
            scf.yield %while3A_183 : i32
          }
          %while3A_167 = arith.constant 1 : i32
          %while3A_168 = scf.for %while3A_170 = %while3A_164 to %while3A_160 step %while3A_167 iter_args(%while3A_171 = %while3A_166) -> (i32)  : i32 {
            %mul3A_172 = arith.constant 16 : i32
            %mul3A_173 = arith.muli %while3A_170, %mul3A_172 : i32
            %swap3A = arith.index_cast %mul3A_173 : i32 to index
            %swap3A_174 = tpu.vector_load %run_scoped3A_0[%swap3A] {strides = array<i32>} : memref<2176xi32, #tpu.memory_space<vmem>>, vector<16xi32>,
            tpu.vector_store %run_scoped3A_0[%swap3A], %iota3A {strides = array<i32>} : memref<2176xi32, #tpu.memory_space<vmem>>, vector<16xi32>,
            %mul3A_175 = arith.constant 16 : i32
            %mul3A_176 = arith.muli %while3A_170, %mul3A_175 : i32
            %swap3A_177 = arith.index_cast %mul3A_176 : i32 to index
            %swap3A_178 = tpu.vector_load %run_scoped3A_1[%swap3A_177] {strides = array<i32>} : memref<2176xf32, #tpu.memory_space<vmem>>, vector<16xf32>,
            tpu.vector_store %run_scoped3A_1[%swap3A_177], %broadcast_in_dim3A_6 {strides = array<i32>} : memref<2176xf32, #tpu.memory_space<vmem>>, vector<16xf32>,
            %mul3A_179 = arith.constant 16 : i32
            %mul3A_180 = arith.muli %while3A_170, %mul3A_179 : i32
            %swap3A_181 = arith.index_cast %mul3A_180 : i32 to index
            %swap3A_182 = tpu.vector_load %run_scoped3A_2[%swap3A_181] {strides = array<i32>} : memref<2176xi32, #tpu.memory_space<vmem>>, vector<16xi32>,
            tpu.vector_store %run_scoped3A_2[%swap3A_181], %iota3A {strides = array<i32>} : memref<2176xi32, #tpu.memory_space<vmem>>, vector<16xi32>,
            %while3A_183 = arith.constant 0 : i32
            scf.yield %while3A_183 : i32
          }
          %scan3A_169 = arith.constant 0 : i32
          scf.yield %scan3A_169 : i32
        }
        %scan3A_45 = arith.constant 40 : i32
        %barrier3A_46 = arith.constant 0 : index
        tpu.barrier barrier_id(%barrier3A_46)
        %mul3A_47 = arith.constant 51200 : i32
        %mul3A_48 = arith.muli %add3A, %mul3A_47 : i32
        %mul3A_49 = arith.constant 3200 : i32
        %mul3A_50 = arith.muli %arg1, %mul3A_49 : i32
        %add3A_51 = arith.addi %mul3A_48, %mul3A_50 : i32
        %scan3A_52 = arith.constant 0 : i32
        %scan3A_53 = arith.constant 0 : i32
        %scan3A_54 = arith.constant 64 : i32
        %scan3A_55 = arith.addi %scan3A_53, %scan3A_54 : i32
        %scan3A_56 = arith.constant 1 : i32
        %scan3A_57 = scf.for %scan3A_61 = %scan3A_53 to %scan3A_55 step %scan3A_56 iter_args(%scan3A_62 = %scan3A_52) -> (i32)  : i32 {
          %jit3A = arith.constant 16 : i32
          %div3A = arith.divsi %scan3A_61, %jit3A : i32
          %sign3A = arith.constant 0 : i32
          %sign3A_63 = arith.cmpi sgt, %scan3A_61, %sign3A : i32
          %sign3A_64 = arith.extui %sign3A_63 : i1 to i32
          %sign3A_65 = arith.constant 0 : i32
          %sign3A_66 = arith.cmpi slt, %scan3A_61, %sign3A_65 : i32
          %sign3A_67 = arith.extui %sign3A_66 : i1 to i32
          %sign3A_68 = arith.subi %sign3A_64, %sign3A_67 : i32
          %sign3A_69 = arith.constant 0 : i32
          %sign3A_70 = arith.cmpi sgt, %jit3A, %sign3A_69 : i32
          %sign3A_71 = arith.extui %sign3A_70 : i1 to i32
          %sign3A_72 = arith.constant 0 : i32
          %sign3A_73 = arith.cmpi slt, %jit3A, %sign3A_72 : i32
          %sign3A_74 = arith.extui %sign3A_73 : i1 to i32
          %sign3A_75 = arith.subi %sign3A_71, %sign3A_74 : i32
          %ne3A = arith.cmpi ne, %sign3A_68, %sign3A_75 : i32
          %rem3A = arith.remsi %scan3A_61, %jit3A : i32
          %ne3A_76 = arith.constant 0 : i32
          %ne3A_77 = arith.cmpi ne, %rem3A, %ne3A_76 : i32
          %and3A = arith.andi %ne3A, %ne3A_77 : i1
          %sub3A = arith.constant 1 : i32
          %sub3A_78 = arith.subi %div3A, %sub3A : i32
          %select_n3A = arith.select %and3A, %sub3A_78, %div3A : i32
          %jit3A_79 = arith.constant 16 : i32
          %eq3A = arith.constant 0 : i32
          %eq3A_80 = arith.cmpi eq, %jit3A_79, %eq3A : i32
          %jit3A_81 = arith.constant 1 : i32
          %select_n3A_82 = arith.select %eq3A_80, %jit3A_81, %jit3A_79 : i32
          %rem3A_83 = arith.remsi %scan3A_61, %select_n3A_82 : i32
          %ne3A_84 = arith.constant 0 : i32
          %ne3A_85 = arith.cmpi ne, %rem3A_83, %ne3A_84 : i32
          %lt3A = arith.constant 0 : i32
          %lt3A_86 = arith.cmpi slt, %rem3A_83, %lt3A : i32
          %lt3A_87 = arith.constant 0 : i32
          %lt3A_88 = arith.cmpi slt, %select_n3A_82, %lt3A_87 : i32
          %ne3A_89 = arith.xori %lt3A_86, %lt3A_88 : i1
          %and3A_90 = arith.andi %ne3A_89, %ne3A_85 : i1
          %add3A_91 = arith.addi %rem3A_83, %select_n3A_82 : i32
          %select_n3A_92 = arith.select %and3A_90, %add3A_91, %rem3A_83 : i32
          %mul3A_93 = arith.constant 3200 : i32
          %mul3A_94 = arith.muli %arg1, %mul3A_93 : i32
          %mul3A_95 = arith.constant 200 : i32
          %mul3A_96 = arith.muli %select_n3A_92, %mul3A_95 : i32
          %add3A_97 = arith.addi %mul3A_94, %mul3A_96 : i32
          %mul3A_98 = arith.constant 8 : i32
          %mul3A_99 = arith.muli %select_n3A, %mul3A_98 : i32
          %mul3A_100 = arith.constant 200 : i32
          %mul3A_101 = arith.muli %select_n3A_92, %mul3A_100 : i32
          %add3A_102 = arith.addi %add3A_51, %mul3A_101 : i32
          "tpu.region"() ({
            %run_scoped3A_104 = tpu.sem_alloc : memref<!tpu.dma_semaphore, #tpu.memory_space<semaphore_mem>>
            %dma_start3A = arith.constant 0 : i32
            %dma_start3A_105 = tpu.memref_slice %arg4[%select_n3A, %add3A_102, %dma_start3A] : memref<4x1331200x8xf32, #tpu.memory_space<hbm>> -> memref<1x200x8xf32, #tpu.memory_space<hbm>>
            %dma_start3A_106 = tpu.memref_squeeze %dma_start3A_105 : memref<1x200x8xf32, #tpu.memory_space<hbm>> -> memref<200x8xf32, #tpu.memory_space<hbm>>
            %dma_start3A_107 = tpu.memref_slice %arg5[%add3A_97, %mul3A_99] : memref<51200x32xf32, #tpu.memory_space<vmem_shared>> -> memref<200x8xf32, #tpu.memory_space<vmem_shared>>
            tpu.enqueue_dma source(%dma_start3A_107 : memref<200x8xf32, #tpu.memory_space<vmem_shared>>) target(%dma_start3A_106 : memref<200x8xf32, #tpu.memory_space<hbm>>) target_semaphore(%run_scoped3A_104 : memref<!tpu.dma_semaphore, #tpu.memory_space<semaphore_mem>>)
            %dma_wait3A = arith.constant 0 : i32
            %dma_wait3A_108 = tpu.memref_slice %arg4[%select_n3A, %add3A_102, %dma_wait3A] : memref<4x1331200x8xf32, #tpu.memory_space<hbm>> -> memref<1x200x8xf32, #tpu.memory_space<hbm>>
            %dma_wait3A_109 = tpu.memref_squeeze %dma_wait3A_108 : memref<1x200x8xf32, #tpu.memory_space<hbm>> -> memref<200x8xf32, #tpu.memory_space<hbm>>
            %dma_wait3A_110 = tpu.memref_slice %arg5[%add3A_97, %mul3A_99] : memref<51200x32xf32, #tpu.memory_space<vmem_shared>> -> memref<200x8xf32, #tpu.memory_space<vmem_shared>>
            tpu.wait_dma2 semaphore(%run_scoped3A_104 : memref<!tpu.dma_semaphore, #tpu.memory_space<semaphore_mem>>) src(%dma_wait3A_110 : memref<200x8xf32, #tpu.memory_space<vmem_shared>>) dst(%dma_wait3A_109 : memref<200x8xf32, #tpu.memory_space<hbm>>)
            tpu.yield
          }) : () -> ()
          %scan3A_103 = arith.constant 0 : i32
          scf.yield %scan3A_103 : i32
        }
        %scan3A_58 = arith.constant 64 : i32
        %barrier3A_59 = arith.constant 0 : index
        tpu.barrier barrier_id(%barrier3A_59)
        %scan3A_60 = arith.constant 0 : i32
        scf.yield %scan3A_60 : i32
      }
      %scan3A_26 = arith.constant 13 : i32
      tpu.yield
    }) : () -> ()
    return
  }
}

module attributes {stable_mosaic.version = 14 : i64} {
  func.func @_dense_block(%arg0: i32, %arg1: memref<1x400x512xf32, #tpu.memory_space<vmem>>, %arg2: memref<1x400x512xf32, #tpu.memory_space<vmem>>, %arg3: memref<1x400x512xf32, #tpu.memory_space<vmem>>, %arg4: memref<1x400x512xf32, #tpu.memory_space<vmem>>, %arg5: memref<400x256xf32, #tpu.memory_space<vmem>>, %arg6: memref<400x128xf32, #tpu.memory_space<vmem>>, %arg7: memref<400x128xf32, #tpu.memory_space<vmem>>, %arg8: memref<4x512x512xf32, #tpu.memory_space<vmem>>, %arg9: memref<4x512xf32, #tpu.memory_space<vmem>>, %arg10: memref<1x256xf32, #tpu.memory_space<vmem>>, %arg11: memref<1x256xf32, #tpu.memory_space<vmem>>, %arg12: memref<256x256xf32, #tpu.memory_space<vmem>>, %arg13: memref<1x256xf32, #tpu.memory_space<vmem>>, %arg14: memref<256x256xf32, #tpu.memory_space<vmem>>, %arg15: memref<1x256xf32, #tpu.memory_space<vmem>>, %arg16: memref<128x16xf32, #tpu.memory_space<vmem>>, %arg17: memref<128x16xf32, #tpu.memory_space<vmem>>, %arg18: memref<1x8xf32, #tpu.memory_space<vmem>>, %arg19: memref<1x8xf32, #tpu.memory_space<vmem>>, %arg20: memref<256x256xf32, #tpu.memory_space<vmem>>, %arg21: memref<1x256xf32, #tpu.memory_space<vmem>>, %arg22: memref<256x2048xf32, #tpu.memory_space<vmem>>, %arg23: memref<1x2048xf32, #tpu.memory_space<vmem>>, %arg24: memref<256x256xf32, #tpu.memory_space<vmem>>, %arg25: memref<1x256xf32, #tpu.memory_space<vmem>>, %arg26: memref<256x256xf32, #tpu.memory_space<vmem>>, %arg27: memref<1x256xf32, #tpu.memory_space<vmem>>, %arg28: memref<256x2048xf32, #tpu.memory_space<vmem>>, %arg29: memref<1x2048xf32, #tpu.memory_space<vmem>>, %arg30: memref<256x256xf32, #tpu.memory_space<vmem>>, %arg31: memref<1x256xf32, #tpu.memory_space<vmem>>, %arg32: memref<400x256xf32, #tpu.memory_space<vmem>>) attributes {dimension_semantics = [#tpu.dimension_semantics<arbitrary>], iteration_bounds = array<i64: 50>, scalar_prefetch = 0 : i64, scratch_operands = 0 : i64, tpu.core_type = #tpu.core_type<tc>, window_params = [{transform_indices = @transform_0, window_bounds = array<i64: 1, 400, 512>}, {transform_indices = @transform_1, window_bounds = array<i64: 1, 400, 512>}, {transform_indices = @transform_2, window_bounds = array<i64: 1, 400, 512>}, {transform_indices = @transform_3, window_bounds = array<i64: 1, 400, 512>}, {transform_indices = @transform_4, window_bounds = array<i64: 400, 256>}, {transform_indices = @transform_5, window_bounds = array<i64: 400, 128>}, {transform_indices = @transform_6, window_bounds = array<i64: 400, 128>}, {pipeline_mode = #tpu.pipeline_mode<synchronous>, transform_indices = @transform_7, window_bounds = array<i64: 4, 512, 512>}, {pipeline_mode = #tpu.pipeline_mode<synchronous>, transform_indices = @transform_8, window_bounds = array<i64: 4, 512>}, {pipeline_mode = #tpu.pipeline_mode<synchronous>, transform_indices = @transform_9, window_bounds = array<i64: 1, 256>}, {pipeline_mode = #tpu.pipeline_mode<synchronous>, transform_indices = @transform_10, window_bounds = array<i64: 1, 256>}, {pipeline_mode = #tpu.pipeline_mode<synchronous>, transform_indices = @transform_11, window_bounds = array<i64: 256, 256>}, {pipeline_mode = #tpu.pipeline_mode<synchronous>, transform_indices = @transform_12, window_bounds = array<i64: 1, 256>}, {pipeline_mode = #tpu.pipeline_mode<synchronous>, transform_indices = @transform_13, window_bounds = array<i64: 256, 256>}, {pipeline_mode = #tpu.pipeline_mode<synchronous>, transform_indices = @transform_14, window_bounds = array<i64: 1, 256>}, {pipeline_mode = #tpu.pipeline_mode<synchronous>, transform_indices = @transform_15, window_bounds = array<i64: 128, 16>}, {pipeline_mode = #tpu.pipeline_mode<synchronous>, transform_indices = @transform_16, window_bounds = array<i64: 128, 16>}, {pipeline_mode = #tpu.pipeline_mode<synchronous>, transform_indices = @transform_17, window_bounds = array<i64: 1, 8>}, {pipeline_mode = #tpu.pipeline_mode<synchronous>, transform_indices = @transform_18, window_bounds = array<i64: 1, 8>}, {pipeline_mode = #tpu.pipeline_mode<synchronous>, transform_indices = @transform_19, window_bounds = array<i64: 256, 256>}, {pipeline_mode = #tpu.pipeline_mode<synchronous>, transform_indices = @transform_20, window_bounds = array<i64: 1, 256>}, {pipeline_mode = #tpu.pipeline_mode<synchronous>, transform_indices = @transform_21, window_bounds = array<i64: 256, 2048>}, {pipeline_mode = #tpu.pipeline_mode<synchronous>, transform_indices = @transform_22, window_bounds = array<i64: 1, 2048>}, {pipeline_mode = #tpu.pipeline_mode<synchronous>, transform_indices = @transform_23, window_bounds = array<i64: 256, 256>}, {pipeline_mode = #tpu.pipeline_mode<synchronous>, transform_indices = @transform_24, window_bounds = array<i64: 1, 256>}, {pipeline_mode = #tpu.pipeline_mode<synchronous>, transform_indices = @transform_25, window_bounds = array<i64: 256, 256>}, {pipeline_mode = #tpu.pipeline_mode<synchronous>, transform_indices = @transform_26, window_bounds = array<i64: 1, 256>}, {pipeline_mode = #tpu.pipeline_mode<synchronous>, transform_indices = @transform_27, window_bounds = array<i64: 256, 2048>}, {pipeline_mode = #tpu.pipeline_mode<synchronous>, transform_indices = @transform_28, window_bounds = array<i64: 1, 2048>}, {pipeline_mode = #tpu.pipeline_mode<synchronous>, transform_indices = @transform_29, window_bounds = array<i64: 256, 256>}, {pipeline_mode = #tpu.pipeline_mode<synchronous>, transform_indices = @transform_30, window_bounds = array<i64: 1, 256>}, {transform_indices = @transform_31, window_bounds = array<i64: 400, 256>}]} {
    %get3A = arith.constant 0 : index
    %get3A_0 = arith.constant 0 : index
    %get3A_1 = arith.constant 0 : index
    %get3A_2 = vector.load %arg1[%get3A, %get3A_0, %get3A_1] : memref<1x400x512xf32, #tpu.memory_space<vmem>>, vector<1x400x512xf32>
    %get3A_3 = vector.shape_cast %get3A_2 : vector<1x400x512xf32> to vector<400x512xf32>
    %get3A_4 = arith.constant 0 : index
    %get3A_5 = arith.constant 0 : index
    %get3A_6 = arith.constant 0 : index
    %get3A_7 = vector.load %arg8[%get3A_4, %get3A_5, %get3A_6] : memref<4x512x512xf32, #tpu.memory_space<vmem>>, vector<1x512x512xf32>
    %get3A_8 = vector.shape_cast %get3A_7 : vector<1x512x512xf32> to vector<512x512xf32>
    %dot_general3A = arith.constant dense<0.000000e+00> : vector<400x512xf32>
    %dot_general3A_9 = tpu.matmul %get3A_3, %get3A_8, %dot_general3A {dimension_numbers = #tpu.dot_dimension_numbers<[1], [0], [0], [1], [0, 0, 1, 1], [], []>, transpose_lhs_hint = false} : vector<400x512xf32>, vector<512x512xf32>, vector<400x512xf32> -> vector<400x512xf32>
    %get3A_10 = arith.constant 0 : index
    %get3A_11 = arith.constant 0 : index
    %get3A_12 = vector.load %arg9[%get3A_10, %get3A_11] : memref<4x512xf32, #tpu.memory_space<vmem>>, vector<1x512xf32>
    %get3A_13 = vector.shape_cast %get3A_12 : vector<1x512xf32> to vector<512xf32>
    %broadcast_in_dim3A = vector.shape_cast %get3A_13 : vector<512xf32> to vector<1x512xf32>
    %add3A = vector.broadcast %broadcast_in_dim3A : vector<1x512xf32> to vector<400x512xf32>
    %add3A_14 = arith.addf %dot_general3A_9, %add3A : vector<400x512xf32>
    %max3A = arith.constant 0.000000e+00 : f32
    %max3A_15 = vector.broadcast %max3A : f32 to vector<400x512xf32>
    %max3A_16 = arith.maximumf %add3A_14, %max3A_15 : vector<400x512xf32>
    %slice3A = vector.extract_strided_slice %max3A_16 {offsets = [0, 0], sizes = [400, 64], strides = [1, 1]} : vector<400x512xf32> to vector<400x64xf32>
    %slice3A_17 = vector.extract_strided_slice %max3A_16 {offsets = [0, 64], sizes = [400, 64], strides = [1, 1]} : vector<400x512xf32> to vector<400x64xf32>
    %add3A_18 = arith.addf %slice3A, %slice3A_17 : vector<400x64xf32>
    %slice3A_19 = vector.extract_strided_slice %max3A_16 {offsets = [0, 128], sizes = [400, 64], strides = [1, 1]} : vector<400x512xf32> to vector<400x64xf32>
    %add3A_20 = arith.addf %add3A_18, %slice3A_19 : vector<400x64xf32>
    %slice3A_21 = vector.extract_strided_slice %max3A_16 {offsets = [0, 192], sizes = [400, 64], strides = [1, 1]} : vector<400x512xf32> to vector<400x64xf32>
    %add3A_22 = arith.addf %add3A_20, %slice3A_21 : vector<400x64xf32>
    %slice3A_23 = vector.extract_strided_slice %max3A_16 {offsets = [0, 256], sizes = [400, 64], strides = [1, 1]} : vector<400x512xf32> to vector<400x64xf32>
    %add3A_24 = arith.addf %add3A_22, %slice3A_23 : vector<400x64xf32>
    %slice3A_25 = vector.extract_strided_slice %max3A_16 {offsets = [0, 320], sizes = [400, 64], strides = [1, 1]} : vector<400x512xf32> to vector<400x64xf32>
    %add3A_26 = arith.addf %add3A_24, %slice3A_25 : vector<400x64xf32>
    %slice3A_27 = vector.extract_strided_slice %max3A_16 {offsets = [0, 384], sizes = [400, 64], strides = [1, 1]} : vector<400x512xf32> to vector<400x64xf32>
    %add3A_28 = arith.addf %add3A_26, %slice3A_27 : vector<400x64xf32>
    %slice3A_29 = vector.extract_strided_slice %max3A_16 {offsets = [0, 448], sizes = [400, 64], strides = [1, 1]} : vector<400x512xf32> to vector<400x64xf32>
    %add3A_30 = arith.addf %add3A_28, %slice3A_29 : vector<400x64xf32>
    %mul3A = arith.constant 1.250000e-01 : f32
    %mul3A_31 = vector.broadcast %mul3A : f32 to vector<400x64xf32>
    %mul3A_32 = arith.mulf %add3A_30, %mul3A_31 : vector<400x64xf32>
    %get3A_33 = arith.constant 0 : index
    %get3A_34 = arith.constant 0 : index
    %get3A_35 = arith.constant 0 : index
    %get3A_36 = vector.load %arg2[%get3A_33, %get3A_34, %get3A_35] : memref<1x400x512xf32, #tpu.memory_space<vmem>>, vector<1x400x512xf32>
    %get3A_37 = vector.shape_cast %get3A_36 : vector<1x400x512xf32> to vector<400x512xf32>
    %get3A_38 = arith.constant 1 : index
    %get3A_39 = arith.constant 0 : index
    %get3A_40 = arith.constant 0 : index
    %get3A_41 = vector.load %arg8[%get3A_38, %get3A_39, %get3A_40] : memref<4x512x512xf32, #tpu.memory_space<vmem>>, vector<1x512x512xf32>
    %get3A_42 = vector.shape_cast %get3A_41 : vector<1x512x512xf32> to vector<512x512xf32>
    %dot_general3A_43 = arith.constant dense<0.000000e+00> : vector<400x512xf32>
    %dot_general3A_44 = tpu.matmul %get3A_37, %get3A_42, %dot_general3A_43 {dimension_numbers = #tpu.dot_dimension_numbers<[1], [0], [0], [1], [0, 0, 1, 1], [], []>, transpose_lhs_hint = false} : vector<400x512xf32>, vector<512x512xf32>, vector<400x512xf32> -> vector<400x512xf32>
    %get3A_45 = arith.constant 1 : index
    %get3A_46 = arith.constant 0 : index
    %get3A_47 = vector.load %arg9[%get3A_45, %get3A_46] : memref<4x512xf32, #tpu.memory_space<vmem>>, vector<1x512xf32>
    %get3A_48 = vector.shape_cast %get3A_47 : vector<1x512xf32> to vector<512xf32>
    %broadcast_in_dim3A_49 = vector.shape_cast %get3A_48 : vector<512xf32> to vector<1x512xf32>
    %add3A_50 = vector.broadcast %broadcast_in_dim3A_49 : vector<1x512xf32> to vector<400x512xf32>
    %add3A_51 = arith.addf %dot_general3A_44, %add3A_50 : vector<400x512xf32>
    %max3A_52 = arith.constant 0.000000e+00 : f32
    %max3A_53 = vector.broadcast %max3A_52 : f32 to vector<400x512xf32>
    %max3A_54 = arith.maximumf %add3A_51, %max3A_53 : vector<400x512xf32>
    %slice3A_55 = vector.extract_strided_slice %max3A_54 {offsets = [0, 0], sizes = [400, 64], strides = [1, 1]} : vector<400x512xf32> to vector<400x64xf32>
    %slice3A_56 = vector.extract_strided_slice %max3A_54 {offsets = [0, 64], sizes = [400, 64], strides = [1, 1]} : vector<400x512xf32> to vector<400x64xf32>
    %add3A_57 = arith.addf %slice3A_55, %slice3A_56 : vector<400x64xf32>
    %slice3A_58 = vector.extract_strided_slice %max3A_54 {offsets = [0, 128], sizes = [400, 64], strides = [1, 1]} : vector<400x512xf32> to vector<400x64xf32>
    %add3A_59 = arith.addf %add3A_57, %slice3A_58 : vector<400x64xf32>
    %slice3A_60 = vector.extract_strided_slice %max3A_54 {offsets = [0, 192], sizes = [400, 64], strides = [1, 1]} : vector<400x512xf32> to vector<400x64xf32>
    %add3A_61 = arith.addf %add3A_59, %slice3A_60 : vector<400x64xf32>
    %slice3A_62 = vector.extract_strided_slice %max3A_54 {offsets = [0, 256], sizes = [400, 64], strides = [1, 1]} : vector<400x512xf32> to vector<400x64xf32>
    %add3A_63 = arith.addf %add3A_61, %slice3A_62 : vector<400x64xf32>
    %slice3A_64 = vector.extract_strided_slice %max3A_54 {offsets = [0, 320], sizes = [400, 64], strides = [1, 1]} : vector<400x512xf32> to vector<400x64xf32>
    %add3A_65 = arith.addf %add3A_63, %slice3A_64 : vector<400x64xf32>
    %slice3A_66 = vector.extract_strided_slice %max3A_54 {offsets = [0, 384], sizes = [400, 64], strides = [1, 1]} : vector<400x512xf32> to vector<400x64xf32>
    %add3A_67 = arith.addf %add3A_65, %slice3A_66 : vector<400x64xf32>
    %slice3A_68 = vector.extract_strided_slice %max3A_54 {offsets = [0, 448], sizes = [400, 64], strides = [1, 1]} : vector<400x512xf32> to vector<400x64xf32>
    %add3A_69 = arith.addf %add3A_67, %slice3A_68 : vector<400x64xf32>
    %mul3A_70 = arith.constant 1.250000e-01 : f32
    %mul3A_71 = vector.broadcast %mul3A_70 : f32 to vector<400x64xf32>
    %mul3A_72 = arith.mulf %add3A_69, %mul3A_71 : vector<400x64xf32>
    %get3A_73 = arith.constant 0 : index
    %get3A_74 = arith.constant 0 : index
    %get3A_75 = arith.constant 0 : index
    %get3A_76 = vector.load %arg3[%get3A_73, %get3A_74, %get3A_75] : memref<1x400x512xf32, #tpu.memory_space<vmem>>, vector<1x400x512xf32>
    %get3A_77 = vector.shape_cast %get3A_76 : vector<1x400x512xf32> to vector<400x512xf32>
    %get3A_78 = arith.constant 2 : index
    %get3A_79 = arith.constant 0 : index
    %get3A_80 = arith.constant 0 : index
    %get3A_81 = vector.load %arg8[%get3A_78, %get3A_79, %get3A_80] : memref<4x512x512xf32, #tpu.memory_space<vmem>>, vector<1x512x512xf32>
    %get3A_82 = vector.shape_cast %get3A_81 : vector<1x512x512xf32> to vector<512x512xf32>
    %dot_general3A_83 = arith.constant dense<0.000000e+00> : vector<400x512xf32>
    %dot_general3A_84 = tpu.matmul %get3A_77, %get3A_82, %dot_general3A_83 {dimension_numbers = #tpu.dot_dimension_numbers<[1], [0], [0], [1], [0, 0, 1, 1], [], []>, transpose_lhs_hint = false} : vector<400x512xf32>, vector<512x512xf32>, vector<400x512xf32> -> vector<400x512xf32>
    %get3A_85 = arith.constant 2 : index
    %get3A_86 = arith.constant 0 : index
    %get3A_87 = vector.load %arg9[%get3A_85, %get3A_86] : memref<4x512xf32, #tpu.memory_space<vmem>>, vector<1x512xf32>
    %get3A_88 = vector.shape_cast %get3A_87 : vector<1x512xf32> to vector<512xf32>
    %broadcast_in_dim3A_89 = vector.shape_cast %get3A_88 : vector<512xf32> to vector<1x512xf32>
    %add3A_90 = vector.broadcast %broadcast_in_dim3A_89 : vector<1x512xf32> to vector<400x512xf32>
    %add3A_91 = arith.addf %dot_general3A_84, %add3A_90 : vector<400x512xf32>
    %max3A_92 = arith.constant 0.000000e+00 : f32
    %max3A_93 = vector.broadcast %max3A_92 : f32 to vector<400x512xf32>
    %max3A_94 = arith.maximumf %add3A_91, %max3A_93 : vector<400x512xf32>
    %slice3A_95 = vector.extract_strided_slice %max3A_94 {offsets = [0, 0], sizes = [400, 64], strides = [1, 1]} : vector<400x512xf32> to vector<400x64xf32>
    %slice3A_96 = vector.extract_strided_slice %max3A_94 {offsets = [0, 64], sizes = [400, 64], strides = [1, 1]} : vector<400x512xf32> to vector<400x64xf32>
    %add3A_97 = arith.addf %slice3A_95, %slice3A_96 : vector<400x64xf32>
    %slice3A_98 = vector.extract_strided_slice %max3A_94 {offsets = [0, 128], sizes = [400, 64], strides = [1, 1]} : vector<400x512xf32> to vector<400x64xf32>
    %add3A_99 = arith.addf %add3A_97, %slice3A_98 : vector<400x64xf32>
    %slice3A_100 = vector.extract_strided_slice %max3A_94 {offsets = [0, 192], sizes = [400, 64], strides = [1, 1]} : vector<400x512xf32> to vector<400x64xf32>
    %add3A_101 = arith.addf %add3A_99, %slice3A_100 : vector<400x64xf32>
    %slice3A_102 = vector.extract_strided_slice %max3A_94 {offsets = [0, 256], sizes = [400, 64], strides = [1, 1]} : vector<400x512xf32> to vector<400x64xf32>
    %add3A_103 = arith.addf %add3A_101, %slice3A_102 : vector<400x64xf32>
    %slice3A_104 = vector.extract_strided_slice %max3A_94 {offsets = [0, 320], sizes = [400, 64], strides = [1, 1]} : vector<400x512xf32> to vector<400x64xf32>
    %add3A_105 = arith.addf %add3A_103, %slice3A_104 : vector<400x64xf32>
    %slice3A_106 = vector.extract_strided_slice %max3A_94 {offsets = [0, 384], sizes = [400, 64], strides = [1, 1]} : vector<400x512xf32> to vector<400x64xf32>
    %add3A_107 = arith.addf %add3A_105, %slice3A_106 : vector<400x64xf32>
    %slice3A_108 = vector.extract_strided_slice %max3A_94 {offsets = [0, 448], sizes = [400, 64], strides = [1, 1]} : vector<400x512xf32> to vector<400x64xf32>
    %add3A_109 = arith.addf %add3A_107, %slice3A_108 : vector<400x64xf32>
    %mul3A_110 = arith.constant 1.250000e-01 : f32
    %mul3A_111 = vector.broadcast %mul3A_110 : f32 to vector<400x64xf32>
    %mul3A_112 = arith.mulf %add3A_109, %mul3A_111 : vector<400x64xf32>
    %get3A_113 = arith.constant 0 : index
    %get3A_114 = arith.constant 0 : index
    %get3A_115 = arith.constant 0 : index
    %get3A_116 = vector.load %arg4[%get3A_113, %get3A_114, %get3A_115] : memref<1x400x512xf32, #tpu.memory_space<vmem>>, vector<1x400x512xf32>
    %get3A_117 = vector.shape_cast %get3A_116 : vector<1x400x512xf32> to vector<400x512xf32>
    %get3A_118 = arith.constant 3 : index
    %get3A_119 = arith.constant 0 : index
    %get3A_120 = arith.constant 0 : index
    %get3A_121 = vector.load %arg8[%get3A_118, %get3A_119, %get3A_120] : memref<4x512x512xf32, #tpu.memory_space<vmem>>, vector<1x512x512xf32>
    %get3A_122 = vector.shape_cast %get3A_121 : vector<1x512x512xf32> to vector<512x512xf32>
    %dot_general3A_123 = arith.constant dense<0.000000e+00> : vector<400x512xf32>
    %dot_general3A_124 = tpu.matmul %get3A_117, %get3A_122, %dot_general3A_123 {dimension_numbers = #tpu.dot_dimension_numbers<[1], [0], [0], [1], [0, 0, 1, 1], [], []>, transpose_lhs_hint = false} : vector<400x512xf32>, vector<512x512xf32>, vector<400x512xf32> -> vector<400x512xf32>
    %get3A_125 = arith.constant 3 : index
    %get3A_126 = arith.constant 0 : index
    %get3A_127 = vector.load %arg9[%get3A_125, %get3A_126] : memref<4x512xf32, #tpu.memory_space<vmem>>, vector<1x512xf32>
    %get3A_128 = vector.shape_cast %get3A_127 : vector<1x512xf32> to vector<512xf32>
    %broadcast_in_dim3A_129 = vector.shape_cast %get3A_128 : vector<512xf32> to vector<1x512xf32>
    %add3A_130 = vector.broadcast %broadcast_in_dim3A_129 : vector<1x512xf32> to vector<400x512xf32>
    %add3A_131 = arith.addf %dot_general3A_124, %add3A_130 : vector<400x512xf32>
    %max3A_132 = arith.constant 0.000000e+00 : f32
    %max3A_133 = vector.broadcast %max3A_132 : f32 to vector<400x512xf32>
    %max3A_134 = arith.maximumf %add3A_131, %max3A_133 : vector<400x512xf32>
    %slice3A_135 = vector.extract_strided_slice %max3A_134 {offsets = [0, 0], sizes = [400, 64], strides = [1, 1]} : vector<400x512xf32> to vector<400x64xf32>
    %slice3A_136 = vector.extract_strided_slice %max3A_134 {offsets = [0, 64], sizes = [400, 64], strides = [1, 1]} : vector<400x512xf32> to vector<400x64xf32>
    %add3A_137 = arith.addf %slice3A_135, %slice3A_136 : vector<400x64xf32>
    %slice3A_138 = vector.extract_strided_slice %max3A_134 {offsets = [0, 128], sizes = [400, 64], strides = [1, 1]} : vector<400x512xf32> to vector<400x64xf32>
    %add3A_139 = arith.addf %add3A_137, %slice3A_138 : vector<400x64xf32>
    %slice3A_140 = vector.extract_strided_slice %max3A_134 {offsets = [0, 192], sizes = [400, 64], strides = [1, 1]} : vector<400x512xf32> to vector<400x64xf32>
    %add3A_141 = arith.addf %add3A_139, %slice3A_140 : vector<400x64xf32>
    %slice3A_142 = vector.extract_strided_slice %max3A_134 {offsets = [0, 256], sizes = [400, 64], strides = [1, 1]} : vector<400x512xf32> to vector<400x64xf32>
    %add3A_143 = arith.addf %add3A_141, %slice3A_142 : vector<400x64xf32>
    %slice3A_144 = vector.extract_strided_slice %max3A_134 {offsets = [0, 320], sizes = [400, 64], strides = [1, 1]} : vector<400x512xf32> to vector<400x64xf32>
    %add3A_145 = arith.addf %add3A_143, %slice3A_144 : vector<400x64xf32>
    %slice3A_146 = vector.extract_strided_slice %max3A_134 {offsets = [0, 384], sizes = [400, 64], strides = [1, 1]} : vector<400x512xf32> to vector<400x64xf32>
    %add3A_147 = arith.addf %add3A_145, %slice3A_146 : vector<400x64xf32>
    %slice3A_148 = vector.extract_strided_slice %max3A_134 {offsets = [0, 448], sizes = [400, 64], strides = [1, 1]} : vector<400x512xf32> to vector<400x64xf32>
    %add3A_149 = arith.addf %add3A_147, %slice3A_148 : vector<400x64xf32>
    %mul3A_150 = arith.constant 1.250000e-01 : f32
    %mul3A_151 = vector.broadcast %mul3A_150 : f32 to vector<400x64xf32>
    %mul3A_152 = arith.mulf %add3A_149, %mul3A_151 : vector<400x64xf32>
    %reduce_sum3A = arith.constant dense<0.000000e+00> : vector<400xf32>
    %reduce_sum3A_153 = vector.multi_reduction <add>, %mul3A_32, %reduce_sum3A [1] : vector<400x64xf32> to vector<400xf32>
    %broadcast_in_dim3A_154 = vector.shape_cast %reduce_sum3A_153 : vector<400xf32> to vector<400x1xf32>
    %div3A = arith.constant 6.400000e+01 : f32
    %div3A_155 = vector.broadcast %div3A : f32 to vector<400x1xf32>
    %div3A_156 = arith.divf %broadcast_in_dim3A_154, %div3A_155 : vector<400x1xf32>
    %sub3A = vector.broadcast %div3A_156 : vector<400x1xf32> to vector<400x64xf32>
    %sub3A_157 = arith.subf %mul3A_32, %sub3A : vector<400x64xf32>
    %mul3A_158 = arith.mulf %sub3A_157, %sub3A_157 : vector<400x64xf32>
    %reduce_sum3A_159 = arith.constant dense<0.000000e+00> : vector<400xf32>
    %reduce_sum3A_160 = vector.multi_reduction <add>, %mul3A_158, %reduce_sum3A_159 [1] : vector<400x64xf32> to vector<400xf32>
    %broadcast_in_dim3A_161 = vector.shape_cast %reduce_sum3A_160 : vector<400xf32> to vector<400x1xf32>
    %div3A_162 = arith.constant 6.400000e+01 : f32
    %div3A_163 = vector.broadcast %div3A_162 : f32 to vector<400x1xf32>
    %div3A_164 = arith.divf %broadcast_in_dim3A_161, %div3A_163 : vector<400x1xf32>
    %add3A_165 = arith.constant 9.99999974E-6 : f32
    %add3A_166 = vector.broadcast %add3A_165 : f32 to vector<400x1xf32>
    %add3A_167 = arith.addf %div3A_164, %add3A_166 : vector<400x1xf32>
    %rsqrt3A = math.rsqrt %add3A_167 : vector<400x1xf32>
    %mul3A_168 = vector.broadcast %rsqrt3A : vector<400x1xf32> to vector<400x64xf32>
    %mul3A_169 = arith.mulf %sub3A_157, %mul3A_168 : vector<400x64xf32>
    %reduce_sum3A_170 = arith.constant dense<0.000000e+00> : vector<400xf32>
    %reduce_sum3A_171 = vector.multi_reduction <add>, %mul3A_72, %reduce_sum3A_170 [1] : vector<400x64xf32> to vector<400xf32>
    %broadcast_in_dim3A_172 = vector.shape_cast %reduce_sum3A_171 : vector<400xf32> to vector<400x1xf32>
    %div3A_173 = arith.constant 6.400000e+01 : f32
    %div3A_174 = vector.broadcast %div3A_173 : f32 to vector<400x1xf32>
    %div3A_175 = arith.divf %broadcast_in_dim3A_172, %div3A_174 : vector<400x1xf32>
    %sub3A_176 = vector.broadcast %div3A_175 : vector<400x1xf32> to vector<400x64xf32>
    %sub3A_177 = arith.subf %mul3A_72, %sub3A_176 : vector<400x64xf32>
    %mul3A_178 = arith.mulf %sub3A_177, %sub3A_177 : vector<400x64xf32>
    %reduce_sum3A_179 = arith.constant dense<0.000000e+00> : vector<400xf32>
    %reduce_sum3A_180 = vector.multi_reduction <add>, %mul3A_178, %reduce_sum3A_179 [1] : vector<400x64xf32> to vector<400xf32>
    %broadcast_in_dim3A_181 = vector.shape_cast %reduce_sum3A_180 : vector<400xf32> to vector<400x1xf32>
    %div3A_182 = arith.constant 6.400000e+01 : f32
    %div3A_183 = vector.broadcast %div3A_182 : f32 to vector<400x1xf32>
    %div3A_184 = arith.divf %broadcast_in_dim3A_181, %div3A_183 : vector<400x1xf32>
    %add3A_185 = arith.constant 9.99999974E-6 : f32
    %add3A_186 = vector.broadcast %add3A_185 : f32 to vector<400x1xf32>
    %add3A_187 = arith.addf %div3A_184, %add3A_186 : vector<400x1xf32>
    %rsqrt3A_188 = math.rsqrt %add3A_187 : vector<400x1xf32>
    %mul3A_189 = vector.broadcast %rsqrt3A_188 : vector<400x1xf32> to vector<400x64xf32>
    %mul3A_190 = arith.mulf %sub3A_177, %mul3A_189 : vector<400x64xf32>
    %reduce_sum3A_191 = arith.constant dense<0.000000e+00> : vector<400xf32>
    %reduce_sum3A_192 = vector.multi_reduction <add>, %mul3A_112, %reduce_sum3A_191 [1] : vector<400x64xf32> to vector<400xf32>
    %broadcast_in_dim3A_193 = vector.shape_cast %reduce_sum3A_192 : vector<400xf32> to vector<400x1xf32>
    %div3A_194 = arith.constant 6.400000e+01 : f32
    %div3A_195 = vector.broadcast %div3A_194 : f32 to vector<400x1xf32>
    %div3A_196 = arith.divf %broadcast_in_dim3A_193, %div3A_195 : vector<400x1xf32>
    %sub3A_197 = vector.broadcast %div3A_196 : vector<400x1xf32> to vector<400x64xf32>
    %sub3A_198 = arith.subf %mul3A_112, %sub3A_197 : vector<400x64xf32>
    %mul3A_199 = arith.mulf %sub3A_198, %sub3A_198 : vector<400x64xf32>
    %reduce_sum3A_200 = arith.constant dense<0.000000e+00> : vector<400xf32>
    %reduce_sum3A_201 = vector.multi_reduction <add>, %mul3A_199, %reduce_sum3A_200 [1] : vector<400x64xf32> to vector<400xf32>
    %broadcast_in_dim3A_202 = vector.shape_cast %reduce_sum3A_201 : vector<400xf32> to vector<400x1xf32>
    %div3A_203 = arith.constant 6.400000e+01 : f32
    %div3A_204 = vector.broadcast %div3A_203 : f32 to vector<400x1xf32>
    %div3A_205 = arith.divf %broadcast_in_dim3A_202, %div3A_204 : vector<400x1xf32>
    %add3A_206 = arith.constant 9.99999974E-6 : f32
    %add3A_207 = vector.broadcast %add3A_206 : f32 to vector<400x1xf32>
    %add3A_208 = arith.addf %div3A_205, %add3A_207 : vector<400x1xf32>
    %rsqrt3A_209 = math.rsqrt %add3A_208 : vector<400x1xf32>
    %mul3A_210 = vector.broadcast %rsqrt3A_209 : vector<400x1xf32> to vector<400x64xf32>
    %mul3A_211 = arith.mulf %sub3A_198, %mul3A_210 : vector<400x64xf32>
    %reduce_sum3A_212 = arith.constant dense<0.000000e+00> : vector<400xf32>
    %reduce_sum3A_213 = vector.multi_reduction <add>, %mul3A_152, %reduce_sum3A_212 [1] : vector<400x64xf32> to vector<400xf32>
    %broadcast_in_dim3A_214 = vector.shape_cast %reduce_sum3A_213 : vector<400xf32> to vector<400x1xf32>
    %div3A_215 = arith.constant 6.400000e+01 : f32
    %div3A_216 = vector.broadcast %div3A_215 : f32 to vector<400x1xf32>
    %div3A_217 = arith.divf %broadcast_in_dim3A_214, %div3A_216 : vector<400x1xf32>
    %sub3A_218 = vector.broadcast %div3A_217 : vector<400x1xf32> to vector<400x64xf32>
    %sub3A_219 = arith.subf %mul3A_152, %sub3A_218 : vector<400x64xf32>
    %mul3A_220 = arith.mulf %sub3A_219, %sub3A_219 : vector<400x64xf32>
    %reduce_sum3A_221 = arith.constant dense<0.000000e+00> : vector<400xf32>
    %reduce_sum3A_222 = vector.multi_reduction <add>, %mul3A_220, %reduce_sum3A_221 [1] : vector<400x64xf32> to vector<400xf32>
    %broadcast_in_dim3A_223 = vector.shape_cast %reduce_sum3A_222 : vector<400xf32> to vector<400x1xf32>
    %div3A_224 = arith.constant 6.400000e+01 : f32
    %div3A_225 = vector.broadcast %div3A_224 : f32 to vector<400x1xf32>
    %div3A_226 = arith.divf %broadcast_in_dim3A_223, %div3A_225 : vector<400x1xf32>
    %add3A_227 = arith.constant 9.99999974E-6 : f32
    %add3A_228 = vector.broadcast %add3A_227 : f32 to vector<400x1xf32>
    %add3A_229 = arith.addf %div3A_226, %add3A_228 : vector<400x1xf32>
    %rsqrt3A_230 = math.rsqrt %add3A_229 : vector<400x1xf32>
    %mul3A_231 = vector.broadcast %rsqrt3A_230 : vector<400x1xf32> to vector<400x64xf32>
    %mul3A_232 = arith.mulf %sub3A_219, %mul3A_231 : vector<400x64xf32>
    %concatenate3A = tpu.concatenate %mul3A_169, %mul3A_190, %mul3A_211, %mul3A_232 in 1 : vector<400x64xf32>, vector<400x64xf32>, vector<400x64xf32>, vector<400x64xf32> -> vector<400x256xf32>
    %get3A_233 = arith.constant 0 : index
    %get3A_234 = arith.constant 0 : index
    %get3A_235 = vector.load %arg10[%get3A_233, %get3A_234] : memref<1x256xf32, #tpu.memory_space<vmem>>, vector<1x256xf32>
    %mul3A_236 = vector.broadcast %get3A_235 : vector<1x256xf32> to vector<400x256xf32>
    %mul3A_237 = arith.mulf %concatenate3A, %mul3A_236 : vector<400x256xf32>
    %get3A_238 = arith.constant 0 : index
    %get3A_239 = arith.constant 0 : index
    %get3A_240 = vector.load %arg11[%get3A_238, %get3A_239] : memref<1x256xf32, #tpu.memory_space<vmem>>, vector<1x256xf32>
    %add3A_241 = vector.broadcast %get3A_240 : vector<1x256xf32> to vector<400x256xf32>
    %add3A_242 = arith.addf %mul3A_237, %add3A_241 : vector<400x256xf32>
    %get3A_243 = arith.constant 0 : index
    %get3A_244 = arith.constant 0 : index
    %get3A_245 = vector.load %arg6[%get3A_243, %get3A_244] : memref<400x128xf32, #tpu.memory_space<vmem>>, vector<400x128xf32>
    %get3A_246 = arith.constant 0 : index
    %get3A_247 = arith.constant 0 : index
    %get3A_248 = vector.load %arg16[%get3A_246, %get3A_247] : memref<128x16xf32, #tpu.memory_space<vmem>>, vector<128x16xf32>
    %dot_general3A_249 = arith.constant dense<0.000000e+00> : vector<400x16xf32>
    %dot_general3A_250 = tpu.matmul %get3A_245, %get3A_248, %dot_general3A_249 {dimension_numbers = #tpu.dot_dimension_numbers<[1], [0], [0], [1], [0, 0, 1, 1], [], []>, transpose_lhs_hint = false} : vector<400x128xf32>, vector<128x16xf32>, vector<400x16xf32> -> vector<400x16xf32>
    %get3A_251 = arith.constant 0 : index
    %get3A_252 = arith.constant 0 : index
    %get3A_253 = vector.load %arg7[%get3A_251, %get3A_252] : memref<400x128xf32, #tpu.memory_space<vmem>>, vector<400x128xf32>
    %get3A_254 = arith.constant 0 : index
    %get3A_255 = arith.constant 0 : index
    %get3A_256 = vector.load %arg17[%get3A_254, %get3A_255] : memref<128x16xf32, #tpu.memory_space<vmem>>, vector<128x16xf32>
    %dot_general3A_257 = arith.constant dense<0.000000e+00> : vector<400x16xf32>
    %dot_general3A_258 = tpu.matmul %get3A_253, %get3A_256, %dot_general3A_257 {dimension_numbers = #tpu.dot_dimension_numbers<[1], [0], [0], [1], [0, 0, 1, 1], [], []>, transpose_lhs_hint = false} : vector<400x128xf32>, vector<128x16xf32>, vector<400x16xf32> -> vector<400x16xf32>
    %add3A_259 = arith.addf %dot_general3A_250, %dot_general3A_258 : vector<400x16xf32>
    %slice3A_260 = vector.extract_strided_slice %add3A_259 {offsets = [0, 0], sizes = [400, 8], strides = [1, 1]} : vector<400x16xf32> to vector<400x8xf32>
    %get3A_261 = arith.constant 0 : index
    %get3A_262 = arith.constant 0 : index
    %get3A_263 = vector.load %arg18[%get3A_261, %get3A_262] : memref<1x8xf32, #tpu.memory_space<vmem>>, vector<1x8xf32>
    %add3A_264 = vector.broadcast %get3A_263 : vector<1x8xf32> to vector<400x8xf32>
    %add3A_265 = arith.addf %slice3A_260, %add3A_264 : vector<400x8xf32>
    %slice3A_266 = vector.extract_strided_slice %add3A_259 {offsets = [0, 8], sizes = [400, 8], strides = [1, 1]} : vector<400x16xf32> to vector<400x8xf32>
    %get3A_267 = arith.constant 0 : index
    %get3A_268 = arith.constant 0 : index
    %get3A_269 = vector.load %arg19[%get3A_267, %get3A_268] : memref<1x8xf32, #tpu.memory_space<vmem>>, vector<1x8xf32>
    %add3A_270 = vector.broadcast %get3A_269 : vector<1x8xf32> to vector<400x8xf32>
    %add3A_271 = arith.addf %slice3A_266, %add3A_270 : vector<400x8xf32>
    %reduce_max3A = arith.constant dense<0xFF800000> : vector<400xf32>
    %reduce_max3A_272 = vector.multi_reduction <maximumf>, %add3A_265, %reduce_max3A [1] : vector<400x8xf32> to vector<400xf32>
    %max3A_273 = arith.constant 0xFF800000 : f32
    %max3A_274 = vector.broadcast %max3A_273 : f32 to vector<400xf32>
    %max3A_275 = arith.maximumf %max3A_274, %reduce_max3A_272 : vector<400xf32>
    %broadcast_in_dim3A_276 = vector.shape_cast %max3A_275 : vector<400xf32> to vector<400x1xf32>
    %sub3A_277 = vector.broadcast %broadcast_in_dim3A_276 : vector<400x1xf32> to vector<400x8xf32>
    %sub3A_278 = arith.subf %add3A_265, %sub3A_277 : vector<400x8xf32>
    %exp3A = math.exp %sub3A_278 : vector<400x8xf32>
    %reduce_sum3A_279 = arith.constant dense<0.000000e+00> : vector<400xf32>
    %reduce_sum3A_280 = vector.multi_reduction <add>, %exp3A, %reduce_sum3A_279 [1] : vector<400x8xf32> to vector<400xf32>
    %broadcast_in_dim3A_281 = vector.shape_cast %reduce_sum3A_280 : vector<400xf32> to vector<400x1xf32>
    %div3A_282 = vector.broadcast %broadcast_in_dim3A_281 : vector<400x1xf32> to vector<400x8xf32>
    %div3A_283 = arith.divf %exp3A, %div3A_282 : vector<400x8xf32>
    %reduce_max3A_284 = arith.constant dense<0xFF800000> : vector<400xf32>
    %reduce_max3A_285 = vector.multi_reduction <maximumf>, %add3A_271, %reduce_max3A_284 [1] : vector<400x8xf32> to vector<400xf32>
    %max3A_286 = arith.constant 0xFF800000 : f32
    %max3A_287 = vector.broadcast %max3A_286 : f32 to vector<400xf32>
    %max3A_288 = arith.maximumf %max3A_287, %reduce_max3A_285 : vector<400xf32>
    %broadcast_in_dim3A_289 = vector.shape_cast %max3A_288 : vector<400xf32> to vector<400x1xf32>
    %sub3A_290 = vector.broadcast %broadcast_in_dim3A_289 : vector<400x1xf32> to vector<400x8xf32>
    %sub3A_291 = arith.subf %add3A_271, %sub3A_290 : vector<400x8xf32>
    %exp3A_292 = math.exp %sub3A_291 : vector<400x8xf32>
    %reduce_sum3A_293 = arith.constant dense<0.000000e+00> : vector<400xf32>
    %reduce_sum3A_294 = vector.multi_reduction <add>, %exp3A_292, %reduce_sum3A_293 [1] : vector<400x8xf32> to vector<400xf32>
    %broadcast_in_dim3A_295 = vector.shape_cast %reduce_sum3A_294 : vector<400xf32> to vector<400x1xf32>
    %div3A_296 = vector.broadcast %broadcast_in_dim3A_295 : vector<400x1xf32> to vector<400x8xf32>
    %div3A_297 = arith.divf %exp3A_292, %div3A_296 : vector<400x8xf32>
    %get3A_298 = arith.constant 0 : index
    %get3A_299 = arith.constant 0 : index
    %get3A_300 = vector.load %arg20[%get3A_298, %get3A_299] : memref<256x256xf32, #tpu.memory_space<vmem>>, vector<256x256xf32>
    %dot_general3A_301 = arith.constant dense<0.000000e+00> : vector<400x256xf32>
    %dot_general3A_302 = tpu.matmul %add3A_242, %get3A_300, %dot_general3A_301 {dimension_numbers = #tpu.dot_dimension_numbers<[1], [0], [0], [1], [0, 0, 1, 1], [], []>, transpose_lhs_hint = false} : vector<400x256xf32>, vector<256x256xf32>, vector<400x256xf32> -> vector<400x256xf32>
    %get3A_303 = arith.constant 0 : index
    %get3A_304 = arith.constant 0 : index
    %get3A_305 = vector.load %arg21[%get3A_303, %get3A_304] : memref<1x256xf32, #tpu.memory_space<vmem>>, vector<1x256xf32>
    %add3A_306 = vector.broadcast %get3A_305 : vector<1x256xf32> to vector<400x256xf32>
    %add3A_307 = arith.addf %dot_general3A_302, %add3A_306 : vector<400x256xf32>
    %max3A_308 = arith.constant 0.000000e+00 : f32
    %max3A_309 = vector.broadcast %max3A_308 : f32 to vector<400x256xf32>
    %max3A_310 = arith.maximumf %add3A_307, %max3A_309 : vector<400x256xf32>
    %get3A_311 = arith.constant 0 : index
    %get3A_312 = arith.constant 0 : index
    %get3A_313 = vector.load %arg22[%get3A_311, %get3A_312] : memref<256x2048xf32, #tpu.memory_space<vmem>>, vector<256x2048xf32>
    %dot_general3A_314 = arith.constant dense<0.000000e+00> : vector<400x2048xf32>
    %dot_general3A_315 = tpu.matmul %max3A_310, %get3A_313, %dot_general3A_314 {dimension_numbers = #tpu.dot_dimension_numbers<[1], [0], [0], [1], [0, 0, 1, 1], [], []>, transpose_lhs_hint = false} : vector<400x256xf32>, vector<256x2048xf32>, vector<400x2048xf32> -> vector<400x2048xf32>
    %get3A_316 = arith.constant 0 : index
    %get3A_317 = arith.constant 0 : index
    %get3A_318 = vector.load %arg23[%get3A_316, %get3A_317] : memref<1x2048xf32, #tpu.memory_space<vmem>>, vector<1x2048xf32>
    %add3A_319 = vector.broadcast %get3A_318 : vector<1x2048xf32> to vector<400x2048xf32>
    %add3A_320 = arith.addf %dot_general3A_315, %add3A_319 : vector<400x2048xf32>
    %max3A_321 = arith.constant 0.000000e+00 : f32
    %max3A_322 = vector.broadcast %max3A_321 : f32 to vector<400x2048xf32>
    %max3A_323 = arith.maximumf %add3A_320, %max3A_322 : vector<400x2048xf32>
    %slice3A_324 = vector.extract_strided_slice %max3A_323 {offsets = [0, 0], sizes = [400, 256], strides = [1, 1]} : vector<400x2048xf32> to vector<400x256xf32>
    %slice3A_325 = vector.extract_strided_slice %div3A_283 {offsets = [0, 0], sizes = [400, 1], strides = [1, 1]} : vector<400x8xf32> to vector<400x1xf32>
    %mul3A_326 = vector.broadcast %slice3A_325 : vector<400x1xf32> to vector<400x256xf32>
    %mul3A_327 = arith.mulf %slice3A_324, %mul3A_326 : vector<400x256xf32>
    %slice3A_328 = vector.extract_strided_slice %max3A_323 {offsets = [0, 256], sizes = [400, 256], strides = [1, 1]} : vector<400x2048xf32> to vector<400x256xf32>
    %slice3A_329 = vector.extract_strided_slice %div3A_283 {offsets = [0, 1], sizes = [400, 1], strides = [1, 1]} : vector<400x8xf32> to vector<400x1xf32>
    %mul3A_330 = vector.broadcast %slice3A_329 : vector<400x1xf32> to vector<400x256xf32>
    %mul3A_331 = arith.mulf %slice3A_328, %mul3A_330 : vector<400x256xf32>
    %add3A_332 = arith.addf %mul3A_327, %mul3A_331 : vector<400x256xf32>
    %slice3A_333 = vector.extract_strided_slice %max3A_323 {offsets = [0, 512], sizes = [400, 256], strides = [1, 1]} : vector<400x2048xf32> to vector<400x256xf32>
    %slice3A_334 = vector.extract_strided_slice %div3A_283 {offsets = [0, 2], sizes = [400, 1], strides = [1, 1]} : vector<400x8xf32> to vector<400x1xf32>
    %mul3A_335 = vector.broadcast %slice3A_334 : vector<400x1xf32> to vector<400x256xf32>
    %mul3A_336 = arith.mulf %slice3A_333, %mul3A_335 : vector<400x256xf32>
    %add3A_337 = arith.addf %add3A_332, %mul3A_336 : vector<400x256xf32>
    %slice3A_338 = vector.extract_strided_slice %max3A_323 {offsets = [0, 768], sizes = [400, 256], strides = [1, 1]} : vector<400x2048xf32> to vector<400x256xf32>
    %slice3A_339 = vector.extract_strided_slice %div3A_283 {offsets = [0, 3], sizes = [400, 1], strides = [1, 1]} : vector<400x8xf32> to vector<400x1xf32>
    %mul3A_340 = vector.broadcast %slice3A_339 : vector<400x1xf32> to vector<400x256xf32>
    %mul3A_341 = arith.mulf %slice3A_338, %mul3A_340 : vector<400x256xf32>
    %add3A_342 = arith.addf %add3A_337, %mul3A_341 : vector<400x256xf32>
    %slice3A_343 = vector.extract_strided_slice %max3A_323 {offsets = [0, 1024], sizes = [400, 256], strides = [1, 1]} : vector<400x2048xf32> to vector<400x256xf32>
    %slice3A_344 = vector.extract_strided_slice %div3A_283 {offsets = [0, 4], sizes = [400, 1], strides = [1, 1]} : vector<400x8xf32> to vector<400x1xf32>
    %mul3A_345 = vector.broadcast %slice3A_344 : vector<400x1xf32> to vector<400x256xf32>
    %mul3A_346 = arith.mulf %slice3A_343, %mul3A_345 : vector<400x256xf32>
    %add3A_347 = arith.addf %add3A_342, %mul3A_346 : vector<400x256xf32>
    %slice3A_348 = vector.extract_strided_slice %max3A_323 {offsets = [0, 1280], sizes = [400, 256], strides = [1, 1]} : vector<400x2048xf32> to vector<400x256xf32>
    %slice3A_349 = vector.extract_strided_slice %div3A_283 {offsets = [0, 5], sizes = [400, 1], strides = [1, 1]} : vector<400x8xf32> to vector<400x1xf32>
    %mul3A_350 = vector.broadcast %slice3A_349 : vector<400x1xf32> to vector<400x256xf32>
    %mul3A_351 = arith.mulf %slice3A_348, %mul3A_350 : vector<400x256xf32>
    %add3A_352 = arith.addf %add3A_347, %mul3A_351 : vector<400x256xf32>
    %slice3A_353 = vector.extract_strided_slice %max3A_323 {offsets = [0, 1536], sizes = [400, 256], strides = [1, 1]} : vector<400x2048xf32> to vector<400x256xf32>
    %slice3A_354 = vector.extract_strided_slice %div3A_283 {offsets = [0, 6], sizes = [400, 1], strides = [1, 1]} : vector<400x8xf32> to vector<400x1xf32>
    %mul3A_355 = vector.broadcast %slice3A_354 : vector<400x1xf32> to vector<400x256xf32>
    %mul3A_356 = arith.mulf %slice3A_353, %mul3A_355 : vector<400x256xf32>
    %add3A_357 = arith.addf %add3A_352, %mul3A_356 : vector<400x256xf32>
    %slice3A_358 = vector.extract_strided_slice %max3A_323 {offsets = [0, 1792], sizes = [400, 256], strides = [1, 1]} : vector<400x2048xf32> to vector<400x256xf32>
    %slice3A_359 = vector.extract_strided_slice %div3A_283 {offsets = [0, 7], sizes = [400, 1], strides = [1, 1]} : vector<400x8xf32> to vector<400x1xf32>
    %mul3A_360 = vector.broadcast %slice3A_359 : vector<400x1xf32> to vector<400x256xf32>
    %mul3A_361 = arith.mulf %slice3A_358, %mul3A_360 : vector<400x256xf32>
    %add3A_362 = arith.addf %add3A_357, %mul3A_361 : vector<400x256xf32>
    %get3A_363 = arith.constant 0 : index
    %get3A_364 = arith.constant 0 : index
    %get3A_365 = vector.load %arg24[%get3A_363, %get3A_364] : memref<256x256xf32, #tpu.memory_space<vmem>>, vector<256x256xf32>
    %dot_general3A_366 = arith.constant dense<0.000000e+00> : vector<400x256xf32>
    %dot_general3A_367 = tpu.matmul %add3A_362, %get3A_365, %dot_general3A_366 {dimension_numbers = #tpu.dot_dimension_numbers<[1], [0], [0], [1], [0, 0, 1, 1], [], []>, transpose_lhs_hint = false} : vector<400x256xf32>, vector<256x256xf32>, vector<400x256xf32> -> vector<400x256xf32>
    %get3A_368 = arith.constant 0 : index
    %get3A_369 = arith.constant 0 : index
    %get3A_370 = vector.load %arg25[%get3A_368, %get3A_369] : memref<1x256xf32, #tpu.memory_space<vmem>>, vector<1x256xf32>
    %add3A_371 = vector.broadcast %get3A_370 : vector<1x256xf32> to vector<400x256xf32>
    %add3A_372 = arith.addf %dot_general3A_367, %add3A_371 : vector<400x256xf32>
    %get3A_373 = arith.constant 0 : index
    %get3A_374 = arith.constant 0 : index
    %get3A_375 = vector.load %arg5[%get3A_373, %get3A_374] : memref<400x256xf32, #tpu.memory_space<vmem>>, vector<400x256xf32>
    %get3A_376 = arith.constant 0 : index
    %get3A_377 = arith.constant 0 : index
    %get3A_378 = vector.load %arg12[%get3A_376, %get3A_377] : memref<256x256xf32, #tpu.memory_space<vmem>>, vector<256x256xf32>
    %dot_general3A_379 = arith.constant dense<0.000000e+00> : vector<400x256xf32>
    %dot_general3A_380 = tpu.matmul %get3A_375, %get3A_378, %dot_general3A_379 {dimension_numbers = #tpu.dot_dimension_numbers<[1], [0], [0], [1], [0, 0, 1, 1], [], []>, transpose_lhs_hint = false} : vector<400x256xf32>, vector<256x256xf32>, vector<400x256xf32> -> vector<400x256xf32>
    %get3A_381 = arith.constant 0 : index
    %get3A_382 = arith.constant 0 : index
    %get3A_383 = vector.load %arg13[%get3A_381, %get3A_382] : memref<1x256xf32, #tpu.memory_space<vmem>>, vector<1x256xf32>
    %add3A_384 = vector.broadcast %get3A_383 : vector<1x256xf32> to vector<400x256xf32>
    %add3A_385 = arith.addf %dot_general3A_380, %add3A_384 : vector<400x256xf32>
    %max3A_386 = arith.constant 0.000000e+00 : f32
    %max3A_387 = vector.broadcast %max3A_386 : f32 to vector<400x256xf32>
    %max3A_388 = arith.maximumf %add3A_385, %max3A_387 : vector<400x256xf32>
    %get3A_389 = arith.constant 0 : index
    %get3A_390 = arith.constant 0 : index
    %get3A_391 = vector.load %arg14[%get3A_389, %get3A_390] : memref<256x256xf32, #tpu.memory_space<vmem>>, vector<256x256xf32>
    %dot_general3A_392 = arith.constant dense<0.000000e+00> : vector<400x256xf32>
    %dot_general3A_393 = tpu.matmul %max3A_388, %get3A_391, %dot_general3A_392 {dimension_numbers = #tpu.dot_dimension_numbers<[1], [0], [0], [1], [0, 0, 1, 1], [], []>, transpose_lhs_hint = false} : vector<400x256xf32>, vector<256x256xf32>, vector<400x256xf32> -> vector<400x256xf32>
    %get3A_394 = arith.constant 0 : index
    %get3A_395 = arith.constant 0 : index
    %get3A_396 = vector.load %arg15[%get3A_394, %get3A_395] : memref<1x256xf32, #tpu.memory_space<vmem>>, vector<1x256xf32>
    %add3A_397 = vector.broadcast %get3A_396 : vector<1x256xf32> to vector<400x256xf32>
    %add3A_398 = arith.addf %dot_general3A_393, %add3A_397 : vector<400x256xf32>
    %add3A_399 = arith.addf %add3A_372, %add3A_398 : vector<400x256xf32>
    %max3A_400 = arith.constant 0.000000e+00 : f32
    %max3A_401 = vector.broadcast %max3A_400 : f32 to vector<400x256xf32>
    %max3A_402 = arith.maximumf %add3A_399, %max3A_401 : vector<400x256xf32>
    %get3A_403 = arith.constant 0 : index
    %get3A_404 = arith.constant 0 : index
    %get3A_405 = vector.load %arg26[%get3A_403, %get3A_404] : memref<256x256xf32, #tpu.memory_space<vmem>>, vector<256x256xf32>
    %dot_general3A_406 = arith.constant dense<0.000000e+00> : vector<400x256xf32>
    %dot_general3A_407 = tpu.matmul %max3A_402, %get3A_405, %dot_general3A_406 {dimension_numbers = #tpu.dot_dimension_numbers<[1], [0], [0], [1], [0, 0, 1, 1], [], []>, transpose_lhs_hint = false} : vector<400x256xf32>, vector<256x256xf32>, vector<400x256xf32> -> vector<400x256xf32>
    %get3A_408 = arith.constant 0 : index
    %get3A_409 = arith.constant 0 : index
    %get3A_410 = vector.load %arg27[%get3A_408, %get3A_409] : memref<1x256xf32, #tpu.memory_space<vmem>>, vector<1x256xf32>
    %add3A_411 = vector.broadcast %get3A_410 : vector<1x256xf32> to vector<400x256xf32>
    %add3A_412 = arith.addf %dot_general3A_407, %add3A_411 : vector<400x256xf32>
    %max3A_413 = arith.constant 0.000000e+00 : f32
    %max3A_414 = vector.broadcast %max3A_413 : f32 to vector<400x256xf32>
    %max3A_415 = arith.maximumf %add3A_412, %max3A_414 : vector<400x256xf32>
    %get3A_416 = arith.constant 0 : index
    %get3A_417 = arith.constant 0 : index
    %get3A_418 = vector.load %arg28[%get3A_416, %get3A_417] : memref<256x2048xf32, #tpu.memory_space<vmem>>, vector<256x2048xf32>
    %dot_general3A_419 = arith.constant dense<0.000000e+00> : vector<400x2048xf32>
    %dot_general3A_420 = tpu.matmul %max3A_415, %get3A_418, %dot_general3A_419 {dimension_numbers = #tpu.dot_dimension_numbers<[1], [0], [0], [1], [0, 0, 1, 1], [], []>, transpose_lhs_hint = false} : vector<400x256xf32>, vector<256x2048xf32>, vector<400x2048xf32> -> vector<400x2048xf32>
    %get3A_421 = arith.constant 0 : index
    %get3A_422 = arith.constant 0 : index
    %get3A_423 = vector.load %arg29[%get3A_421, %get3A_422] : memref<1x2048xf32, #tpu.memory_space<vmem>>, vector<1x2048xf32>
    %add3A_424 = vector.broadcast %get3A_423 : vector<1x2048xf32> to vector<400x2048xf32>
    %add3A_425 = arith.addf %dot_general3A_420, %add3A_424 : vector<400x2048xf32>
    %max3A_426 = arith.constant 0.000000e+00 : f32
    %max3A_427 = vector.broadcast %max3A_426 : f32 to vector<400x2048xf32>
    %max3A_428 = arith.maximumf %add3A_425, %max3A_427 : vector<400x2048xf32>
    %slice3A_429 = vector.extract_strided_slice %max3A_428 {offsets = [0, 0], sizes = [400, 256], strides = [1, 1]} : vector<400x2048xf32> to vector<400x256xf32>
    %slice3A_430 = vector.extract_strided_slice %div3A_297 {offsets = [0, 0], sizes = [400, 1], strides = [1, 1]} : vector<400x8xf32> to vector<400x1xf32>
    %mul3A_431 = vector.broadcast %slice3A_430 : vector<400x1xf32> to vector<400x256xf32>
    %mul3A_432 = arith.mulf %slice3A_429, %mul3A_431 : vector<400x256xf32>
    %slice3A_433 = vector.extract_strided_slice %max3A_428 {offsets = [0, 256], sizes = [400, 256], strides = [1, 1]} : vector<400x2048xf32> to vector<400x256xf32>
    %slice3A_434 = vector.extract_strided_slice %div3A_297 {offsets = [0, 1], sizes = [400, 1], strides = [1, 1]} : vector<400x8xf32> to vector<400x1xf32>
    %mul3A_435 = vector.broadcast %slice3A_434 : vector<400x1xf32> to vector<400x256xf32>
    %mul3A_436 = arith.mulf %slice3A_433, %mul3A_435 : vector<400x256xf32>
    %add3A_437 = arith.addf %mul3A_432, %mul3A_436 : vector<400x256xf32>
    %slice3A_438 = vector.extract_strided_slice %max3A_428 {offsets = [0, 512], sizes = [400, 256], strides = [1, 1]} : vector<400x2048xf32> to vector<400x256xf32>
    %slice3A_439 = vector.extract_strided_slice %div3A_297 {offsets = [0, 2], sizes = [400, 1], strides = [1, 1]} : vector<400x8xf32> to vector<400x1xf32>
    %mul3A_440 = vector.broadcast %slice3A_439 : vector<400x1xf32> to vector<400x256xf32>
    %mul3A_441 = arith.mulf %slice3A_438, %mul3A_440 : vector<400x256xf32>
    %add3A_442 = arith.addf %add3A_437, %mul3A_441 : vector<400x256xf32>
    %slice3A_443 = vector.extract_strided_slice %max3A_428 {offsets = [0, 768], sizes = [400, 256], strides = [1, 1]} : vector<400x2048xf32> to vector<400x256xf32>
    %slice3A_444 = vector.extract_strided_slice %div3A_297 {offsets = [0, 3], sizes = [400, 1], strides = [1, 1]} : vector<400x8xf32> to vector<400x1xf32>
    %mul3A_445 = vector.broadcast %slice3A_444 : vector<400x1xf32> to vector<400x256xf32>
    %mul3A_446 = arith.mulf %slice3A_443, %mul3A_445 : vector<400x256xf32>
    %add3A_447 = arith.addf %add3A_442, %mul3A_446 : vector<400x256xf32>
    %slice3A_448 = vector.extract_strided_slice %max3A_428 {offsets = [0, 1024], sizes = [400, 256], strides = [1, 1]} : vector<400x2048xf32> to vector<400x256xf32>
    %slice3A_449 = vector.extract_strided_slice %div3A_297 {offsets = [0, 4], sizes = [400, 1], strides = [1, 1]} : vector<400x8xf32> to vector<400x1xf32>
    %mul3A_450 = vector.broadcast %slice3A_449 : vector<400x1xf32> to vector<400x256xf32>
    %mul3A_451 = arith.mulf %slice3A_448, %mul3A_450 : vector<400x256xf32>
    %add3A_452 = arith.addf %add3A_447, %mul3A_451 : vector<400x256xf32>
    %slice3A_453 = vector.extract_strided_slice %max3A_428 {offsets = [0, 1280], sizes = [400, 256], strides = [1, 1]} : vector<400x2048xf32> to vector<400x256xf32>
    %slice3A_454 = vector.extract_strided_slice %div3A_297 {offsets = [0, 5], sizes = [400, 1], strides = [1, 1]} : vector<400x8xf32> to vector<400x1xf32>
    %mul3A_455 = vector.broadcast %slice3A_454 : vector<400x1xf32> to vector<400x256xf32>
    %mul3A_456 = arith.mulf %slice3A_453, %mul3A_455 : vector<400x256xf32>
    %add3A_457 = arith.addf %add3A_452, %mul3A_456 : vector<400x256xf32>
    %slice3A_458 = vector.extract_strided_slice %max3A_428 {offsets = [0, 1536], sizes = [400, 256], strides = [1, 1]} : vector<400x2048xf32> to vector<400x256xf32>
    %slice3A_459 = vector.extract_strided_slice %div3A_297 {offsets = [0, 6], sizes = [400, 1], strides = [1, 1]} : vector<400x8xf32> to vector<400x1xf32>
    %mul3A_460 = vector.broadcast %slice3A_459 : vector<400x1xf32> to vector<400x256xf32>
    %mul3A_461 = arith.mulf %slice3A_458, %mul3A_460 : vector<400x256xf32>
    %add3A_462 = arith.addf %add3A_457, %mul3A_461 : vector<400x256xf32>
    %slice3A_463 = vector.extract_strided_slice %max3A_428 {offsets = [0, 1792], sizes = [400, 256], strides = [1, 1]} : vector<400x2048xf32> to vector<400x256xf32>
    %slice3A_464 = vector.extract_strided_slice %div3A_297 {offsets = [0, 7], sizes = [400, 1], strides = [1, 1]} : vector<400x8xf32> to vector<400x1xf32>
    %mul3A_465 = vector.broadcast %slice3A_464 : vector<400x1xf32> to vector<400x256xf32>
    %mul3A_466 = arith.mulf %slice3A_463, %mul3A_465 : vector<400x256xf32>
    %add3A_467 = arith.addf %add3A_462, %mul3A_466 : vector<400x256xf32>
    %get3A_468 = arith.constant 0 : index
    %get3A_469 = arith.constant 0 : index
    %get3A_470 = vector.load %arg30[%get3A_468, %get3A_469] : memref<256x256xf32, #tpu.memory_space<vmem>>, vector<256x256xf32>
    %dot_general3A_471 = arith.constant dense<0.000000e+00> : vector<400x256xf32>
    %dot_general3A_472 = tpu.matmul %add3A_467, %get3A_470, %dot_general3A_471 {dimension_numbers = #tpu.dot_dimension_numbers<[1], [0], [0], [1], [0, 0, 1, 1], [], []>, transpose_lhs_hint = false} : vector<400x256xf32>, vector<256x256xf32>, vector<400x256xf32> -> vector<400x256xf32>
    %get3A_473 = arith.constant 0 : index
    %get3A_474 = arith.constant 0 : index
    %get3A_475 = vector.load %arg31[%get3A_473, %get3A_474] : memref<1x256xf32, #tpu.memory_space<vmem>>, vector<1x256xf32>
    %add3A_476 = vector.broadcast %get3A_475 : vector<1x256xf32> to vector<400x256xf32>
    %add3A_477 = arith.addf %dot_general3A_472, %add3A_476 : vector<400x256xf32>
    %swap3A = arith.constant 0 : index
    %swap3A_478 = arith.constant 0 : index
    %swap3A_479 = vector.load %arg32[%swap3A, %swap3A_478] : memref<400x256xf32, #tpu.memory_space<vmem>>, vector<400x256xf32>
    tpu.vector_store %arg32[%swap3A, %swap3A_478], %add3A_477 {strides = array<i32>} : memref<400x256xf32, #tpu.memory_space<vmem>>, vector<400x256xf32>,
    return
  }
  func.func @transform_0(%arg0: i32) -> (i32, i32, i32) {
    %c0_i32 = arith.constant 0 : i32
    %c0_i32_0 = arith.constant 0 : i32
    %c0_i32_1 = arith.constant 0 : i32
    return %c0_i32, %arg0, %c0_i32_0 : i32, i32, i32
  }
  func.func @transform_1(%arg0: i32) -> (i32, i32, i32) {
    %c1_i32 = arith.constant 1 : i32
    %c0_i32 = arith.constant 0 : i32
    %c0_i32_0 = arith.constant 0 : i32
    return %c1_i32, %arg0, %c0_i32 : i32, i32, i32
  }
  func.func @transform_2(%arg0: i32) -> (i32, i32, i32) {
    %c2_i32 = arith.constant 2 : i32
    %c0_i32 = arith.constant 0 : i32
    %c0_i32_0 = arith.constant 0 : i32
    return %c2_i32, %arg0, %c0_i32 : i32, i32, i32
  }
  func.func @transform_3(%arg0: i32) -> (i32, i32, i32) {
    %c3_i32 = arith.constant 3 : i32
    %c0_i32 = arith.constant 0 : i32
    %c0_i32_0 = arith.constant 0 : i32
    return %c3_i32, %arg0, %c0_i32 : i32, i32, i32
  }
  func.func @transform_4(%arg0: i32) -> (i32, i32) {
    %c0_i32 = arith.constant 0 : i32
    %c0_i32_0 = arith.constant 0 : i32
    return %arg0, %c0_i32 : i32, i32
  }
  func.func @transform_5(%arg0: i32) -> (i32, i32) {
    %c0_i32 = arith.constant 0 : i32
    %c0_i32_0 = arith.constant 0 : i32
    return %arg0, %c0_i32 : i32, i32
  }
  func.func @transform_6(%arg0: i32) -> (i32, i32) {
    %c0_i32 = arith.constant 0 : i32
    %c0_i32_0 = arith.constant 0 : i32
    return %arg0, %c0_i32 : i32, i32
  }
  func.func @transform_7(%arg0: i32) -> (i32, i32, i32) {
    %c0_i32 = arith.constant 0 : i32
    %c0_i32_0 = arith.constant 0 : i32
    %c0_i32_1 = arith.constant 0 : i32
    %c0_i32_2 = arith.constant 0 : i32
    return %c0_i32, %c0_i32_0, %c0_i32_1 : i32, i32, i32
  }
  func.func @transform_8(%arg0: i32) -> (i32, i32) {
    %c0_i32 = arith.constant 0 : i32
    %c0_i32_0 = arith.constant 0 : i32
    %c0_i32_1 = arith.constant 0 : i32
    return %c0_i32, %c0_i32_0 : i32, i32
  }
  func.func @transform_9(%arg0: i32) -> (i32, i32) {
    %c0_i32 = arith.constant 0 : i32
    %c0_i32_0 = arith.constant 0 : i32
    %c0_i32_1 = arith.constant 0 : i32
    return %c0_i32, %c0_i32_0 : i32, i32
  }
  func.func @transform_10(%arg0: i32) -> (i32, i32) {
    %c0_i32 = arith.constant 0 : i32
    %c0_i32_0 = arith.constant 0 : i32
    %c0_i32_1 = arith.constant 0 : i32
    return %c0_i32, %c0_i32_0 : i32, i32
  }
  func.func @transform_11(%arg0: i32) -> (i32, i32) {
    %c0_i32 = arith.constant 0 : i32
    %c0_i32_0 = arith.constant 0 : i32
    %c0_i32_1 = arith.constant 0 : i32
    return %c0_i32, %c0_i32_0 : i32, i32
  }
  func.func @transform_12(%arg0: i32) -> (i32, i32) {
    %c0_i32 = arith.constant 0 : i32
    %c0_i32_0 = arith.constant 0 : i32
    %c0_i32_1 = arith.constant 0 : i32
    return %c0_i32, %c0_i32_0 : i32, i32
  }
  func.func @transform_13(%arg0: i32) -> (i32, i32) {
    %c0_i32 = arith.constant 0 : i32
    %c0_i32_0 = arith.constant 0 : i32
    %c0_i32_1 = arith.constant 0 : i32
    return %c0_i32, %c0_i32_0 : i32, i32
  }
  func.func @transform_14(%arg0: i32) -> (i32, i32) {
    %c0_i32 = arith.constant 0 : i32
    %c0_i32_0 = arith.constant 0 : i32
    %c0_i32_1 = arith.constant 0 : i32
    return %c0_i32, %c0_i32_0 : i32, i32
  }
  func.func @transform_15(%arg0: i32) -> (i32, i32) {
    %c0_i32 = arith.constant 0 : i32
    %c0_i32_0 = arith.constant 0 : i32
    %c0_i32_1 = arith.constant 0 : i32
    return %c0_i32, %c0_i32_0 : i32, i32
  }
  func.func @transform_16(%arg0: i32) -> (i32, i32) {
    %c0_i32 = arith.constant 0 : i32
    %c0_i32_0 = arith.constant 0 : i32
    %c0_i32_1 = arith.constant 0 : i32
    return %c0_i32, %c0_i32_0 : i32, i32
  }
  func.func @transform_17(%arg0: i32) -> (i32, i32) {
    %c0_i32 = arith.constant 0 : i32
    %c0_i32_0 = arith.constant 0 : i32
    %c0_i32_1 = arith.constant 0 : i32
    return %c0_i32, %c0_i32_0 : i32, i32
  }
  func.func @transform_18(%arg0: i32) -> (i32, i32) {
    %c0_i32 = arith.constant 0 : i32
    %c0_i32_0 = arith.constant 0 : i32
    %c0_i32_1 = arith.constant 0 : i32
    return %c0_i32, %c0_i32_0 : i32, i32
  }
  func.func @transform_19(%arg0: i32) -> (i32, i32) {
    %c0_i32 = arith.constant 0 : i32
    %c0_i32_0 = arith.constant 0 : i32
    %c0_i32_1 = arith.constant 0 : i32
    return %c0_i32, %c0_i32_0 : i32, i32
  }
  func.func @transform_20(%arg0: i32) -> (i32, i32) {
    %c0_i32 = arith.constant 0 : i32
    %c0_i32_0 = arith.constant 0 : i32
    %c0_i32_1 = arith.constant 0 : i32
    return %c0_i32, %c0_i32_0 : i32, i32
  }
  func.func @transform_21(%arg0: i32) -> (i32, i32) {
    %c0_i32 = arith.constant 0 : i32
    %c0_i32_0 = arith.constant 0 : i32
    %c0_i32_1 = arith.constant 0 : i32
    return %c0_i32, %c0_i32_0 : i32, i32
  }
  func.func @transform_22(%arg0: i32) -> (i32, i32) {
    %c0_i32 = arith.constant 0 : i32
    %c0_i32_0 = arith.constant 0 : i32
    %c0_i32_1 = arith.constant 0 : i32
    return %c0_i32, %c0_i32_0 : i32, i32
  }
  func.func @transform_23(%arg0: i32) -> (i32, i32) {
    %c0_i32 = arith.constant 0 : i32
    %c0_i32_0 = arith.constant 0 : i32
    %c0_i32_1 = arith.constant 0 : i32
    return %c0_i32, %c0_i32_0 : i32, i32
  }
  func.func @transform_24(%arg0: i32) -> (i32, i32) {
    %c0_i32 = arith.constant 0 : i32
    %c0_i32_0 = arith.constant 0 : i32
    %c0_i32_1 = arith.constant 0 : i32
    return %c0_i32, %c0_i32_0 : i32, i32
  }
  func.func @transform_25(%arg0: i32) -> (i32, i32) {
    %c0_i32 = arith.constant 0 : i32
    %c0_i32_0 = arith.constant 0 : i32
    %c0_i32_1 = arith.constant 0 : i32
    return %c0_i32, %c0_i32_0 : i32, i32
  }
  func.func @transform_26(%arg0: i32) -> (i32, i32) {
    %c0_i32 = arith.constant 0 : i32
    %c0_i32_0 = arith.constant 0 : i32
    %c0_i32_1 = arith.constant 0 : i32
    return %c0_i32, %c0_i32_0 : i32, i32
  }
  func.func @transform_27(%arg0: i32) -> (i32, i32) {
    %c0_i32 = arith.constant 0 : i32
    %c0_i32_0 = arith.constant 0 : i32
    %c0_i32_1 = arith.constant 0 : i32
    return %c0_i32, %c0_i32_0 : i32, i32
  }
  func.func @transform_28(%arg0: i32) -> (i32, i32) {
    %c0_i32 = arith.constant 0 : i32
    %c0_i32_0 = arith.constant 0 : i32
    %c0_i32_1 = arith.constant 0 : i32
    return %c0_i32, %c0_i32_0 : i32, i32
  }
  func.func @transform_29(%arg0: i32) -> (i32, i32) {
    %c0_i32 = arith.constant 0 : i32
    %c0_i32_0 = arith.constant 0 : i32
    %c0_i32_1 = arith.constant 0 : i32
    return %c0_i32, %c0_i32_0 : i32, i32
  }
  func.func @transform_30(%arg0: i32) -> (i32, i32) {
    %c0_i32 = arith.constant 0 : i32
    %c0_i32_0 = arith.constant 0 : i32
    %c0_i32_1 = arith.constant 0 : i32
    return %c0_i32, %c0_i32_0 : i32, i32
  }
  func.func @transform_31(%arg0: i32) -> (i32, i32) {
    %c0_i32 = arith.constant 0 : i32
    %c0_i32_0 = arith.constant 0 : i32
    return %arg0, %c0_i32 : i32, i32
  }
}

</mosaic_0001>

<sc_bundles>
// kernel: kernel.4.cloned.1.call-start
scs
__scs_entry_jumppad:
0x0: {  	(pc) =	sbr.rel $0x88, $3  }
0x1: {  	(tag) =	ssettag $0x0;
	lr =	simm.s32 $0x1  }
0x2: {  	[smem:$0x3F7E] =	sst lr;
	_ =	strace $0xD0000000  }
0x3: {  	_ = 	snop  }
0x4: {  	_ = 	snop  }
0x5: {  	_ = 	snop  }
0x6: {  	_ = 	snop  }
0x7: {  	_ = 	snop  }
__scs_overlays_trampoline_lowered:
0x8: {  	[smem:$0x3F8D] =	sst s0  }
0x9: {  	[smem:$0x3F8E] =	sst s1  }
0xa: {  	[smem:$0x3F8F] =	sst s2  }
0xb: {  	[smem:$0x3F90] =	sst s3  }
0xc: {  	[smem:$0x3F91] =	sst s4  }
0xd: {  	[smem:$0x3F92] =	sst s5  }
0xe: {  	[smem:$0x3F93] =	sst s6  }
0xf: {  	[smem:$0x3F94] =	sst s7  }
0x10: {  	[smem:$0x3F95] =	sst s8  }
0x11: {  	[smem:$0x3F96] =	sst s9;
	s0 =	simm.s32 @!p0 $0x0  }
0x12: {  	s1 =	sld [smem:$0x3F7C];
	s0 =	simm.s32 @p0 $0x1  }
0x13: {  	[smem:$0x3F97] =	sst s0;
	s0 =	simm.s32 @!p1 $0x0  }
0x14: {  	s2 =	sld [smem:$0x3F7B];
	s0 =	simm.s32 @p1 $0x1  }
0x15: {  	[smem:$0x3F98] =	sst s0;
	s0 =	simm.s32 @!p2 $0x0  }
0x16: {  	s3 =	sld [smem:$0x3FDB];
	s0 =	simm.s32 @p2 $0x1  }
0x17: {  	s4 =	simm.s32 $0x1BF5;
	[smem:$0x3F9A] =	sst s0  }
0x18: {  	s0 =	sld [smem:$0x3F7D];
	_ =	swait.ge [sflag:s4], $0x0  }
0x19: {  	s7 =	sld [smem:$0x3F7E]  }
0x1a: {  	s8 =	sadd.s32 $0xFFFFE003, lr  }
0x1b: {  	s9 =	sadd.s32 $0xFFFFFEF7, lr;
	s5 =	simm.s32 $0xFFFFFFFF;
	p2 =	slt.u32 s8, $0xFFFFF086  }
0x1c: {  	p1 =	slt.u32 s9, $0xF7A;
	s5 =	simm.s32 @!p2 $0x0  }
0x1d: {  	s5 =	simm.s32 @p1 $0x1;
	p0 =	seq.s32 s7, s2  }
0x1e: {  	s7 =	smul.u32 @!p0 $0xF7A, s2;
	p2 =	seq.s32 @!p0 s5, $0x0  }
0x1f: {  	s9 =	smul.u32 $0xF7A, s1;
	s8 =	simm.s32 @!p0 $0x1BF5;
	p2 =	por !p2, p0  }
0x20: {  	[sflag:s8] =	ssyncset.s32 @!p0 $0xFFFFF086;
	s6 =	sadd.s32 @!p0 s3, s7;
	s7 =	simm.s32 @!p0 $0x108  }
0x21: {  	s3 =	sadd.s32 s3, s9;
	s6 =	sadd.s32 @!p0 $0x88, s6;
	s7 =	simm.s32 @p2 $0x1082  }
0x22: {  	[simem:s7], [sflag:s8] =	dma.local @!p0 [hbm:s6], $0xF7A  }
0x23: {  	s9 =	sor.u32 $0xD0000000, s2;
	s6 =	simm.s32 $0x108;
	_ =	swait.ge @!p0 [sflag:s8], $0x0  }
0x24: {  	s3 =	sadd.s32 $0x88, s3;
	s6 =	simm.s32 @!p1 $0x1082;
	[sflag:s4] =	ssyncset.s32 $0xFFFFF086  }
0x25: {  	[simem:s6], [sflag:s4] =	dma.local [hbm:s3], $0xF7A  }
0x26: {  	[smem:$0x3F7E] =	sst s1;
	(tag) =	ssettag s2;
	_ =	strace s9  }
0x27: {  	s1 =	sld [smem:$0x3F8E]  }
0x28: {  	s2 =	sld [smem:$0x3F8F]  }
0x29: {  	s4 =	sld [smem:$0x3F91]  }
0x2a: {  	p0 =	seq.s32 s5, $0x0;
	s5 =	sld [smem:$0x3F92]  }
0x2b: {  	s6 =	sld [smem:$0x3F93]  }
0x2c: {  	s7 =	sld [smem:$0x3F94]  }
0x2d: {  	s3 =	simm.s32 $0x108;
	s8 =	sld [smem:$0x3F95]  }
0x2e: {  	s3 =	simm.s32 @!p0 $0x1082;
	s9 =	sld [smem:$0x3F96]  }
0x2f: {  	lr =	sadd.s32 s0, s3;
	s0 =	sld [smem:$0x3F8D]  }
0x30: {  	s3 =	sld [smem:$0x3F90]  }
0x31: {  	[smem:$0x3F99] =	sst s10  }
0x32: {  	s10 =	sld [smem:$0x3F97];
	_ =	sdelay $0x3  }
0x33: {  	p0 =	seq.s32 s10, $0x1;
	s10 =	sld [smem:$0x3F99];
	_ =	sdelay $0x3  }
0x34: {  	[smem:$0x3F99] =	sst s10  }
0x35: {  	s10 =	sld [smem:$0x3F98];
	_ =	sdelay $0x3  }
0x36: {  	p1 =	seq.s32 s10, $0x1;
	s10 =	sld [smem:$0x3F99];
	_ =	sdelay $0x3  }
0x37: {  	[smem:$0x3F99] =	sst s10  }
0x38: {  	s10 =	sld [smem:$0x3F9A]  }
0x39: {  	_ = 	snop;
	(pc) =	sbr.ind lr, $3  }
0x3a: {  	_ = 	snop  }
0x3b: {  	_ = 	snop  }
0x3c: {  	p2 =	seq.s32 s10, $0x1;
	s10 =	sld [smem:$0x3F99]  }
0x3d: {  	_ =	shalt  }
0x3e: {  	_ =	shalt  }
0x3f: {  	_ =	shalt  }
0x40: {  	_ =	shalt  }
0x41: {  	_ =	shalt  }
0x42: {  	_ =	shalt  }
0x43: {  	_ =	shalt  }
0x44: {  	_ =	shalt  }
0x45: {  	_ =	shalt  }
0x46: {  	_ =	shalt  }
0x47: {  	_ =	shalt  }
0x48: {  	_ =	shalt  }
0x49: {  	_ =	shalt  }
0x4a: {  	_ =	shalt  }
0x4b: {  	_ =	shalt  }
0x4c: {  	_ =	shalt  }
0x4d: {  	_ =	shalt  }
0x4e: {  	_ =	shalt  }
0x4f: {  	_ =	shalt  }
0x50: {  	_ =	shalt  }
0x51: {  	_ =	shalt  }
0x52: {  	_ =	shalt  }
0x53: {  	_ =	shalt  }
0x54: {  	_ =	shalt  }
0x55: {  	_ =	shalt  }
0x56: {  	_ =	shalt  }
0x57: {  	_ =	shalt  }
0x58: {  	_ =	shalt  }
0x59: {  	_ =	shalt  }
0x5a: {  	_ =	shalt  }
0x5b: {  	_ =	shalt  }
0x5c: {  	_ =	shalt  }
0x5d: {  	_ =	shalt  }
0x5e: {  	_ =	shalt  }
0x5f: {  	_ =	shalt  }
0x60: {  	_ =	shalt  }
0x61: {  	_ =	shalt  }
0x62: {  	_ =	shalt  }
0x63: {  	_ =	shalt  }
0x64: {  	_ =	shalt  }
0x65: {  	_ =	shalt  }
0x66: {  	_ =	shalt  }
0x67: {  	_ =	shalt  }
0x68: {  	_ =	shalt  }
0x69: {  	_ =	shalt  }
0x6a: {  	_ =	shalt  }
0x6b: {  	_ =	shalt  }
0x6c: {  	_ =	shalt  }
0x6d: {  	_ =	shalt  }
0x6e: {  	_ =	shalt  }
0x6f: {  	_ =	shalt  }
0x70: {  	_ =	shalt  }
0x71: {  	_ =	shalt  }
0x72: {  	_ =	shalt  }
0x73: {  	_ =	shalt  }
0x74: {  	_ =	shalt  }
0x75: {  	_ =	shalt  }
0x76: {  	_ =	shalt  }
0x77: {  	_ =	shalt  }
0x78: {  	_ =	shalt  }
0x79: {  	_ =	shalt  }
0x7a: {  	_ =	shalt  }
0x7b: {  	_ =	shalt  }
0x7c: {  	_ =	shalt  }
0x7d: {  	_ =	shalt  }
0x7e: {  	_ =	shalt  }
0x7f: {  	_ =	shalt  }
0x80: {  	_ =	shalt  }
0x81: {  	_ =	shalt  }
0x82: {  	_ =	shalt  }
0x83: {  	_ =	shalt  }
0x84: {  	_ =	shalt  }
0x85: {  	_ =	shalt  }
0x86: {  	_ =	shalt  }
0x87: {  	_ =	shalt  }
.Lfunc_end0:
.L_simem_size_0:
called_computation_lowered:
.L_overlay_start_0:
0x88: {  	s2 =	sld [smem:$0x3FD9]  }
0x89: {  	s3 =	sld [smem:$0x3FFE];
	_ =	sdelay $0x1  }
0x8a: {  	s1 =	srdreg.scid  }
0x8b: {  	s0 =	sand.u32 $0x1, s1  }
0x8c: {  	s17 =	sshll.u32 s0, $0xA;
	s2 =	sadd.s32 s3, s2  }
0x8d: {  	s2 =	sadd.s32 s2, s17  }
0x8e: {  	[smem:$0x3FA5] =	sst s2  }
0x8f: {  	_ = 	snop  }
0x90: {  	s2 =	sld [smem:$0x3FD0];
	(tm) =	ssettm $0x1  }
0x91: {  	s18 =	sld [smem:$0x3FFB];
	_ =	sdelay $0x3  }
0x92: {  	_ =	strace s18  }
0x93: {  	s3 =	sld [smem:$0x3FFC];
	_ =	sdelay $0x3  }
0x94: {  	_ =	strace s3  }
0x95: {  	s3 =	sld [smem:$0x3FFD];
	_ =	sdelay $0x3  }
0x96: {  	_ =	strace s3  }
0x97: {  	_ =	strace $0x8FFFFFFF  }
0x98: {  	s19 =	sld [smem:$0x3FDB];
	_ =	sdelay $0x1  }
0x99: {  	s4 =	simm.s32 $_scs_section_size  }
0x9a: {  	s5 =	simm.s32 $_size__tile_overlayer_lowered;
	s6 =	simm.s32 $_tile_overlayer_lowered  }
0x9b: {  	s22 =	simm.s32 $0x1BFF;
	s21 =	sshll.u32 s6, $0x1;
	s3 =	sadd.s32 s4, s19  }
0x9c: {  	s7 =	simm.s32 $0x0;
	s20 =	sshll.u32 s5, $0x1;
	s5 =	sadd.s32 s21, s3  }
0x9d: {  	[timem:s7], [sflag:s22] =	dma.local [hbm:s5], s20  }
0x9e: {  	_ =	swait.ge [sflag:s22], s20  }
0x9f: {  	s4 =	ssub.s32 $0x0, s20;
	[sflag:s22] =	ssyncset.done $0x0  }
0xa0: {  	[sflag:s22] =	ssyncadd.s32 s4;
	_ =	sdelay $0x1  }
0xa1: {  	s23 =	simm.s32 $0x1B8B  }
0xa2: {  	_ =	swait.ge [sflag:s23], $0x1  }
0xa3: {  	[sflag:s23] =	ssyncset.done $0x0  }
0xa4: {  	s25 =	simm.s32 $0x1B8E;
	s24 =	sld [smem:$0x3FFE];
	[sflag:s23] =	ssyncadd.s32 $0xFFFFFFFF  }
0xa5: {  	s26 =	simm.s32 $execute0_lowered;
	[smem:$0x3FD2] =	sst s25  }
0xa6: {  	s5 =	sshll.u32 s26, $0x1;
	_ =	strace $0x80000046;
	[dreg:$0x1] =	wrdreg $0xFFFFFFFF  }
0xa7: {  	s28 =	simm.s32 $_size_execute0_lowered;
	s3 =	sadd.s32 s3, s5;
	[dreg:$0x0] =	wrdreg $0x0  }
0xa8: {  	s5 =	sshll.u32 s28, $0x1;
	[dreg:$0x2] =	wrdreg s3  }
0xa9: {  	[dreg:$0x3] =	wrdreg s5  }
0xaa: {  	[dreg:$0x4] =	wrdreg $0xC0  }
0xab: {  	_ =	task [dreg:s7], $0x5FFFF  }
0xac: {  	[dreg:$0x1] =	wrdreg $0xFFFFFFFF  }
0xad: {  	[dreg:$0x0] =	wrdreg $0x60  }
0xae: {  	[dreg:$0x2] =	wrdreg s24  }
0xaf: {  	[dreg:$0x3] =	wrdreg s2  }
0xb0: {  	[dreg:$0x4] =	wrdreg $0x0  }
0xb1: {  	[dreg:$0x5] =	wrdreg $0x9  }
0xb2: {  	_ =	task.clear_ibuf [dreg:s7], $0x6FFFF;
	_ =	strace $0x90000046  }
0xb3: {  	s29 =	simm.s32 $0x9;
	_ =	strace $0x80000048  }
0xb4: {  	_ =	swait.ge [sflag:s29], $0x1  }
0xb5: {  	[sflag:s29] =	ssyncadd.s32 $0xFFFFFFFF  }
0xb6: {  	_ =	strace $0x90000048  }
0xb7: {  	_ =	sfence  }
0xb8: {  	s30 =	sld [smem:$0x0];
	_ =	sdelay $0x2  }
0xb9: {  	s31 =	sshll.u32 s1, $0xD;
	s1 =	sshrl.u32 s1, $0x2  }
0xba: {  	s3 =	sand.u32 $0x4000, s31;
	s1 =	sadd.s32 s1, s30  }
0xbb: {  	s0 =	sor.u32 s3, s0;
	s1 =	sshll.u32 s1, $0x11  }
0xbc: {  	s0 =	sor.u32 s1, s0  }
0xbd: {  	s0 =	sadd.s32 $0x8F2B, s0  }
0xbe: {  	[sflag:s0] =	ssyncadd.remote.s32 $0x1  }
0xbf: {  	_ =	sfence.sel $0xFFFF  }
0xc0: {  	[dreg:$0x0] =	wrdreg $0xFFFFFFFF;
	(pc) =	sbr.abs _section_cstart, $3  }
0xc1: {  	[dreg:$0x1] =	wrdreg $0xFFFFFFFF  }
0xc2: {  	_ =	task.clear_ibuf [dreg:s7], $0x2FFFF;
	_ =	strace $0x9FFFFFFF  }
0xc3: {  	(tm) =	ssettm $0x7FFFFFFF  }
tec
execute0_lowered:
.L_overlay_start_1:
0x0: {  	(tag) =	ssettag $0x1  }
0x1: {  	s0 =	rddreg [dreg:$0x0]  }
0x2: {  	s1 =	rddreg [dreg:$0x1]  }
0x3: {  	s3 =	rddreg [dreg:$0x2]  }
0x4: {  	s4 =	simm.s32 $0x0;
	s2 =	srdreg.scid;
	s5 =	stileid.u32  }
0x5: {  	[smem:$0x7FF] =	sst s4;
	s9 =	sand.u32 $0x1, s2;
	s10 =	smul.u32 $0x64000, s5  }
0x6: {  	s6 =	sadd.s32 $0x5000, s0;
	s7 =	sadd.s32 $0x18A00, s0;
	s4 =	ssub.s32 $0x2, s9  }
0x7: {  	_ =	strace $0x80000047;
	s11 =	sshrl.u32 s4, $0x1;
	s2 =	sshrl.u32 s10, $0x2  }
0x8: {  	[dreg:$0x4] =	wrdreg s9;
	s0 =	ssub.s32 s4, s11;
	s2 =	sadd.s32 s2, s3  }
0x9: {  	s0 =	smax.u32 s0, $0x1;
	[dreg:$0x5] =	wrdreg s2  }
0xa: {  	s12 =	sadd.s32 $0x1900, s2;
	[dreg:$0x6] =	wrdreg s0  }
0xb: {  	s13 =	sadd.s32 $0x3200, s2;
	[dreg:$0x7] =	wrdreg s12  }
0xc: {  	s14 =	sadd.s32 $0x4B00, s2;
	[dreg:$0x8] =	wrdreg s13  }
0xd: {  	s15 =	sadd.s32 $0x6400, s2;
	[dreg:$0x9] =	wrdreg s14  }
0xe: {  	s16 =	sadd.s32 $0x7D00, s2;
	[dreg:$0xa] =	wrdreg s15  }
0xf: {  	s28 =	simm.s32 $0x1CC00;
	s17 =	sadd.s32 $0x9600, s2;
	[dreg:$0xb] =	wrdreg s16  }
0x10: {  	s29 =	simm.s32 $0x3;
	s18 =	sadd.s32 $0xAF00, s2;
	[dreg:$0xc] =	wrdreg s17  }
0x11: {  	s30 =	simm.s32 $0x200;
	s19 =	sadd.s32 $0xC800, s2;
	[dreg:$0xd] =	wrdreg s18  }
0x12: {  	s31 =	simm.s32 $0x50000;
	s20 =	sadd.s32 $0xE100, s2;
	[dreg:$0xe] =	wrdreg s19  }
0x13: {  	s8 =	smul.u32 $0xC80, s5;
	s21 =	sadd.s32 $0xFA00, s2;
	[dreg:$0xf] =	wrdreg s20  }
0x14: {  	s10 =	smul.u32 $0x5000, s5;
	s22 =	sadd.s32 $0x11300, s2;
	[dreg:$0x10] =	wrdreg s21  }
0x15: {  	s5 =	simm.s32 $0x1BC00;
	s23 =	sadd.s32 $0x12C00, s2;
	[dreg:$0x11] =	wrdreg s22  }
0x16: {  	s4 =	simm.s32 $0x2;
	s24 =	sadd.s32 $0x14500, s2;
	[dreg:$0x12] =	wrdreg s23  }
0x17: {  	s11 =	simm.s32 $0x1;
	s25 =	sadd.s32 $0x15E00, s2;
	[dreg:$0x13] =	wrdreg s24  }
0x18: {  	s26 =	sadd.s32 $0x17700, s2;
	s2 =	simm.s32 $0x80;
	[dreg:$0x14] =	wrdreg s25  }
0x19: {  	[dreg:$0x15] =	wrdreg s26;
	s0 =	simm.s32 $0x19000;
	s12 =	simm.s32 $0x1AA80  }
0x1a: {  	v0 =	vimm.f32 $0.0e+00;
	v1 =	vlaneseq.u32;
	s13 =	simm.s32 $0x1BB80;
	s14 =	simm.s32 $0x4;
	s15 =	simm.s32 $0x0  }
.LBB2_1:
0x1b: {  	s26 =	simm.s32 $0x0  }
0x1c: {  	s9 =	sand.u32 $0x7F80, s26  }
0x1d: {  	[dreg:$0x16] =	wrdreg s15;
	s15 =	sand.u32 $0x10, s26;
	s16 =	sshrl.u32 s9, $0x2  }
0x1e: {  	s9 =	simm.s32 $0x40;
	s17 =	sor.u32 s15, s16;
	s16 =	simm.s32 $0x0  }
.LBB2_2:
0x1f: {  	p0 =	sne.s32 s9, $0x63C0  }
0x20: {  	[tilespmem:s17+$0x1CC00] =	vst v0;
	s16 =	sadd.s32 $0x10, s16;
	s15 =	smov.u32 s9;
	s9 =	sadd.s32 $0x40, s9  }
.Ltmp0:
0x21: {  	(pc) =	sbr.rel @p0 .LBB2_2-.Ltmp0, $4  }
0x22: {  	_ = 	snop  }
0x23: {  	s15 =	sand.u32 $0x7F80, s15  }
0x24: {  	s17 =	sand.u32 $0x10, s16;
	s15 =	sshrl.u32 s15, $0x2  }
0x25: {  	s17 =	sor.u32 s17, s15;
	s15 =	simm.s32 $0x0  }
0x26: {  	[tilespmem:s17+$0x1CC00] =	vst v0;
	s9 =	simm.s32 $0x40;
	s16 =	simm.s32 $0x0  }
.LBB2_4:
0x27: {  	p0 =	sne.s32 s9, $0x21C0;
	[tilespmem:s16+$0x1B300] =	vst v1;
	s17 =	smov.u32 s9;
	s9 =	sadd.s32 $0x40, s9  }
.Ltmp1:
0x28: {  	[tilespmem:s16+$0x1A200] =	vst v1;
	(pc) =	sbr.rel @p0 .LBB2_4-.Ltmp1, $2  }
0x29: {  	[tilespmem:s16+$0x1AA80] =	vst v0;
	_ =	sdelay $0x2  }
0x2a: {  	s16 =	sshra.s32 s17, $0x2  }
0x2b: {  	[tilespmem:s16+$0x1B300] =	vst v1  }
0x2c: {  	[tilespmem:s16+$0x1A200] =	vst v1  }
0x2d: {  	[tilespmem:s16+$0x1AA80] =	vst v0  }
.LBB2_6:
0x2e: {  	s9 =	rddreg [dreg:$0x5]  }
0x2f: {  	[spmem:s9] =	stream.linear.scatter [tilespmem:s28], [sflag:$0x3], $0x1900, $0x38;
	[tilespmem:$0x1E500] =	vst v63  }
0x30: {  	_ =	swait.ge [sflag:s29], $0x1900  }
0x31: {  	[sflag:s29] =	ssyncset.done $0x0  }
0x32: {  	s22 =	rddreg [dreg:$0x7];
	[sflag:s29] =	ssyncadd.s32 $0xFFFFE700  }
0x33: {  	[spmem:s22] =	stream.linear.scatter [tilespmem:s28], [sflag:$0x3], $0x1900, $0x38;
	[tilespmem:$0x1E500] =	vst v63  }
0x34: {  	_ =	swait.ge [sflag:s29], $0x1900  }
0x35: {  	[sflag:s29] =	ssyncset.done $0x0  }
0x36: {  	s23 =	rddreg [dreg:$0x8];
	[sflag:s29] =	ssyncadd.s32 $0xFFFFE700  }
0x37: {  	[spmem:s23] =	stream.linear.scatter [tilespmem:s28], [sflag:$0x3], $0x1900, $0x38;
	[tilespmem:$0x1E500] =	vst v63  }
0x38: {  	_ =	swait.ge [sflag:s29], $0x1900  }
0x39: {  	[sflag:s29] =	ssyncset.done $0x0  }
0x3a: {  	s24 =	rddreg [dreg:$0x9];
	[sflag:s29] =	ssyncadd.s32 $0xFFFFE700  }
0x3b: {  	[spmem:s24] =	stream.linear.scatter [tilespmem:s28], [sflag:$0x3], $0x1900, $0x38;
	[tilespmem:$0x1E500] =	vst v63  }
0x3c: {  	_ =	swait.ge [sflag:s29], $0x1900  }
0x3d: {  	[sflag:s29] =	ssyncset.done $0x0  }
0x3e: {  	s25 =	rddreg [dreg:$0xa];
	[sflag:s29] =	ssyncadd.s32 $0xFFFFE700  }
0x3f: {  	[spmem:s25] =	stream.linear.scatter [tilespmem:s28], [sflag:$0x3], $0x1900, $0x38;
	[tilespmem:$0x1E500] =	vst v63  }
0x40: {  	_ =	swait.ge [sflag:s29], $0x1900  }
0x41: {  	[sflag:s29] =	ssyncset.done $0x0  }
0x42: {  	s26 =	rddreg [dreg:$0xb];
	[sflag:s29] =	ssyncadd.s32 $0xFFFFE700  }
0x43: {  	[spmem:s26] =	stream.linear.scatter [tilespmem:s28], [sflag:$0x3], $0x1900, $0x38;
	[tilespmem:$0x1E500] =	vst v63  }
0x44: {  	_ =	swait.ge [sflag:s29], $0x1900  }
0x45: {  	[sflag:s29] =	ssyncset.done $0x0  }
0x46: {  	s16 =	rddreg [dreg:$0xc];
	[sflag:s29] =	ssyncadd.s32 $0xFFFFE700  }
0x47: {  	[spmem:s16] =	stream.linear.scatter [tilespmem:s28], [sflag:$0x3], $0x1900, $0x38;
	[tilespmem:$0x1E500] =	vst v63  }
0x48: {  	_ =	swait.ge [sflag:s29], $0x1900  }
0x49: {  	[sflag:s29] =	ssyncset.done $0x0  }
0x4a: {  	s17 =	rddreg [dreg:$0xd];
	[sflag:s29] =	ssyncadd.s32 $0xFFFFE700  }
0x4b: {  	[spmem:s17] =	stream.linear.scatter [tilespmem:s28], [sflag:$0x3], $0x1900, $0x38;
	[tilespmem:$0x1E500] =	vst v63  }
0x4c: {  	_ =	swait.ge [sflag:s29], $0x1900  }
0x4d: {  	[sflag:s29] =	ssyncset.done $0x0  }
0x4e: {  	s18 =	rddreg [dreg:$0xe];
	[sflag:s29] =	ssyncadd.s32 $0xFFFFE700  }
0x4f: {  	[spmem:s18] =	stream.linear.scatter [tilespmem:s28], [sflag:$0x3], $0x1900, $0x38;
	[tilespmem:$0x1E500] =	vst v63  }
0x50: {  	_ =	swait.ge [sflag:s29], $0x1900  }
0x51: {  	[sflag:s29] =	ssyncset.done $0x0  }
0x52: {  	s19 =	rddreg [dreg:$0xf];
	[sflag:s29] =	ssyncadd.s32 $0xFFFFE700  }
0x53: {  	[spmem:s19] =	stream.linear.scatter [tilespmem:s28], [sflag:$0x3], $0x1900, $0x38;
	[tilespmem:$0x1E500] =	vst v63  }
0x54: {  	_ =	swait.ge [sflag:s29], $0x1900  }
0x55: {  	[sflag:s29] =	ssyncset.done $0x0  }
0x56: {  	s20 =	rddreg [dreg:$0x10];
	[sflag:s29] =	ssyncadd.s32 $0xFFFFE700  }
0x57: {  	[spmem:s20] =	stream.linear.scatter [tilespmem:s28], [sflag:$0x3], $0x1900, $0x38;
	[tilespmem:$0x1E500] =	vst v63  }
0x58: {  	_ =	swait.ge [sflag:s29], $0x1900  }
0x59: {  	[sflag:s29] =	ssyncset.done $0x0  }
0x5a: {  	s21 =	rddreg [dreg:$0x11];
	[sflag:s29] =	ssyncadd.s32 $0xFFFFE700  }
0x5b: {  	[spmem:s21] =	stream.linear.scatter [tilespmem:s28], [sflag:$0x3], $0x1900, $0x38;
	[tilespmem:$0x1E500] =	vst v63  }
0x5c: {  	_ =	swait.ge [sflag:s29], $0x1900  }
0x5d: {  	[sflag:s29] =	ssyncset.done $0x0  }
0x5e: {  	s22 =	rddreg [dreg:$0x12];
	[sflag:s29] =	ssyncadd.s32 $0xFFFFE700  }
0x5f: {  	[spmem:s22] =	stream.linear.scatter [tilespmem:s28], [sflag:$0x3], $0x1900, $0x38;
	[tilespmem:$0x1E500] =	vst v63  }
0x60: {  	_ =	swait.ge [sflag:s29], $0x1900  }
0x61: {  	[sflag:s29] =	ssyncset.done $0x0  }
0x62: {  	s23 =	rddreg [dreg:$0x13];
	[sflag:s29] =	ssyncadd.s32 $0xFFFFE700  }
0x63: {  	[spmem:s23] =	stream.linear.scatter [tilespmem:s28], [sflag:$0x3], $0x1900, $0x38;
	[tilespmem:$0x1E500] =	vst v63  }
0x64: {  	_ =	swait.ge [sflag:s29], $0x1900  }
0x65: {  	[sflag:s29] =	ssyncset.done $0x0  }
0x66: {  	s24 =	rddreg [dreg:$0x14];
	[sflag:s29] =	ssyncadd.s32 $0xFFFFE700  }
0x67: {  	[spmem:s24] =	stream.linear.scatter [tilespmem:s28], [sflag:$0x3], $0x1900, $0x38;
	[tilespmem:$0x1E500] =	vst v63  }
0x68: {  	_ =	swait.ge [sflag:s29], $0x1900  }
0x69: {  	[sflag:s29] =	ssyncset.done $0x0  }
0x6a: {  	s25 =	rddreg [dreg:$0x15];
	[sflag:s29] =	ssyncadd.s32 $0xFFFFE700  }
0x6b: {  	[spmem:s25] =	stream.linear.scatter [tilespmem:s28], [sflag:$0x3], $0x1900, $0x38;
	[tilespmem:$0x1E500] =	vst v63  }
0x6c: {  	_ =	swait.ge [sflag:s29], $0x1900  }
.Ltmp2:
0x6d: {  	s26 =	sshll.u32 s15, $0x1;
	s16 =	rddreg [dreg:$0x4];
	(pc) =	sbr.rel .LBB2_7-.Ltmp2, $4  }
0x6e: {  	[sflag:s29] =	ssyncset.done $0x0;
	s9 =	sor.u32 s16, s26  }
0x6f: {  	[sflag:s29] =	ssyncadd.s32 $0xFFFFE700;
	s9 =	smul.u32 $0xC800, s9  }
0x70: {  	[bflag:$0x0] =	sbarrier.arrive $0xFFFF  }
0x71: {  	s17 =	simm.s32 $0x0;
	s18 =	simm.s32 $0x0;
	[dreg:$0x17] =	wrdreg s9;
	v2 =	vmov s9  }
.LBB2_22:
0x72: {  	[tilespmem:s20+$0x0] =	vst v0  }
.LBB2_23:
0x73: {  	s18 =	sadd.s32 $0x1, s18  }
0x74: {  	p0 =	sne.s32 s18, $0x28  }
.Ltmp3:
0x75: {  	_ = 	snop;
	(pc) =	sbr.rel @!p0 .LBB2_24-.Ltmp3, $1  }
0x76: {  	_ =	sdelay $0x3  }
.LBB2_7:
0x77: {  	s9 =	sshll.u32 s18, $0x9  }
0x78: {  	s9 =	sadd.s32 s10, s9  }
0x79: {  	s9 =	sshrl.u32 s9, $0x3  }
0x7a: {  	s9 =	sadd.s32 s1, s9  }
0x7b: {  	[tilespmem:s0], [sflag:$0x2] =	stream.strided.gather [hbm4b:s9+s30], $0x1200, s31, s30, $0x38;
	[tilespmem:$0x1E500] =	vst v63  }
0x7c: {  	_ =	swait.ge [sflag:s4], $0x1200  }
0x7d: {  	[sflag:s4] =	ssyncset.done $0x0  }
0x7e: {  	s25 =	simm.s32 $0x0;
	[sflag:s4] =	ssyncadd.s32 $0xFFFFEE00  }
0x7f: {  	v3 =	vld [tilespmem:s25+$0x19000];
	_ =	sdelay $0x1  }
0x80: {  	s19 =	simm.s32 $0x10  }
0x81: {  	s20 =	simm.s32 $0x20;
	v4 =	vld [tilespmem:s19+$0x19000]  }
0x82: {  	v6 =	vld [tilespmem:s20+$0x19000]  }
0x83: {  	v3 =	vsub.s32 v3, v2  }
0x84: {  	vm0 =	vlt.u32 v3, $0xC800  }
0x85: {  	v11 =	vmpcnt.ones.xlane vm0  }
0x86: {  	v10 =	vsub.s32 v4, v2  }
0x87: {  	v8 =	vsub.s32 v6, v2;
	vm1 =	vlt.u32 v10, $0xC800;
	(v2sf) =	vpush v11, $0x0  }
0x88: {  	vm2 =	vlt.u32 v8, $0xC800;
	v6 =	vmpcnt.ones.xlane vm1  }
0x89: {  	v14 =	vmpcnt.ones.xlane vm2  }
0x8a: {  	(v2sf) =	vpush v6, $0x0  }
0x8b: {  	(v2sf) =	vpush v14, $0x0  }
0x8c: {  	v12 =	vld [tilespmem:s25+$0x19800]  }
0x8d: {  	v13 =	vld [tilespmem:s25+$0x1A000]  }
0x8e: {  	v9 =	vld [tilespmem:s19+$0x19800]  }
0x8f: {  	s26 =	simm.s32 $0x30;
	v7 =	vld [tilespmem:s19+$0x1A000]  }
0x90: {  	vm0 =	vmmov vm0;
	v11 =	vld [tilespmem:s26+$0x19000]  }
0x91: {  	vm0 =	vmmov vm0;
	v6 =	vld [tilespmem:s26+$0x19800]  }
0x92: {  	[tilespmem:s17+$0x1A200] =	vst.msk vm0, v3;
	v3 =	vld [tilespmem:s26+$0x1A000]  }
0x93: {  	v5 =	vld [tilespmem:s20+$0x19800];
	vm1 =	vmmov vm1;
	[tilespmem:s17+$0x1AA80] =	vst.msk vm0, v12  }
0x94: {  	s9 =	simm.s32 $0x100;
	s19 =	simm.s32 $0x0;
	v4 =	vld [tilespmem:s20+$0x1A000];
	vm1 =	vmmov vm1;
	[tilespmem:s17+$0x1B300] =	vst.msk vm0, v13;
	vm0 =	vmmov vm2  }
.LBB2_8:
0x95: {  	s20 =	sshra.s32 s9, $0x2;
	p0 =	sne.s32 s9, $0x7C0;
	s9 =	sadd.s32 $0x40, s9;
	v12 =	vsub.s32 v11, v2  }
.Ltmp4:
0x96: {  	v11 =	vld [tilespmem:s20+$0x19000];
	vm2 =	vlt.u32 v12, $0xC800;
	s21 =	spop (v2sf);
	v13 =	vmov v6;
	(pc) =	sbr.rel @p0 .LBB2_8-.Ltmp4, $4  }
0x97: {  	v6 =	vld [tilespmem:s20+$0x19800];
	v14 =	vmpcnt.ones.xlane vm2;
	s19 =	sadd.s32 s19, s21;
	v15 =	vmov v3  }
0x98: {  	v3 =	vld [tilespmem:s20+$0x1A000];
	[tilespmem:s19+$0x1A200] =	vst.msk vm1, v10;
	v10 =	vmov v8;
	v8 =	vmov v12  }
0x99: {  	(v2sf) =	vpush v14, $0x0;
	[tilespmem:s19+$0x1AA80] =	vst.msk vm1, v9;
	v9 =	vmov v5;
	v5 =	vmov v13  }
0x9a: {  	[tilespmem:s19+$0x1B300] =	vst.msk vm1, v7;
	v7 =	vmovc v4;
	v4 =	vmov v15;
	vm1 =	vmmov vm0;
	vm0 =	vmmov vm2  }
0x9b: {  	_ =	sdelay $0x4  }
0x9c: {  	v11 =	vsub.s32 v11, v2  }
0x9d: {  	vm2 =	vlt.u32 v11, $0xC800  }
0x9e: {  	s20 =	spop (v2sf);
	s9 =	simm.s32 $0x0;
	v12 =	vmpcnt.ones.xlane vm2  }
0x9f: {  	s21 =	sadd.s32 s19, s20;
	v62 =	vld [tilespmem:s9+$0x19200]  }
0xa0: {  	[tilespmem:s21+$0x1A200] =	vst.msk vm1, v10;
	(v2sf) =	vpush v12, $0x0  }
0xa1: {  	s20 =	simm.s32 $0x10;
	s22 =	spop (v2sf);
	[tilespmem:s21+$0x1AA80] =	vst.msk vm1, v9  }
0xa2: {  	vm0 =	vmmov vm0;
	s19 =	simm.s32 $0x20;
	v9 =	vld [tilespmem:s20+$0x19200];
	[tilespmem:s21+$0x1B300] =	vst.msk vm1, v7;
	s21 =	sadd.s32 s21, s22  }
0xa3: {  	v13 =	vld [tilespmem:s19+$0x19200];
	[tilespmem:s21+$0x1A200] =	vst.msk vm0, v8  }
0xa4: {  	vm1 =	vmmov vm2;
	[tilespmem:s21+$0x1AA80] =	vst.msk vm0, v5;
	v8 =	vsub.s32 v62, v2;
	s25 =	spop (v2sf)  }
0xa5: {  	[tilespmem:s21+$0x1B300] =	vst.msk vm0, v4;
	vm0 =	vmmov vm1;
	vm1 =	vlt.u32 v8, $0xC800;
	s21 =	sadd.s32 s21, s25  }
0xa6: {  	[tilespmem:s21+$0x1A200] =	vst.msk vm0, v11;
	v11 =	vmpcnt.ones.xlane vm1  }
0xa7: {  	v10 =	vsub.s32 v9, v2  }
0xa8: {  	v9 =	vsub.s32 v13, v2;
	vm2 =	vlt.u32 v10, $0xC800;
	(v2sf) =	vpush v11, $0x0  }
0xa9: {  	vm3 =	vlt.u32 v9, $0xC800;
	[tilespmem:s21+$0x1AA80] =	vst.msk vm0, v6;
	v6 =	vmpcnt.ones.xlane vm2  }
0xaa: {  	v63 =	vmpcnt.ones.xlane vm3  }
0xab: {  	(v2sf) =	vpush v6, $0x0  }
0xac: {  	(v2sf) =	vpush v63, $0x0  }
0xad: {  	v14 =	vld [tilespmem:s9+$0x19A00]  }
0xae: {  	v15 =	vld [tilespmem:s9+$0x1A000]  }
0xaf: {  	v7 =	vld [tilespmem:s20+$0x1A000];
	s26 =	spop (v2sf)  }
0xb0: {  	v5 =	vld [tilespmem:s20+$0x19A00];
	vm1 =	vmmov vm1;
	[tilespmem:s21+$0x1B300] =	vst.msk vm0, v3;
	s22 =	sadd.s32 s21, s26;
	s21 =	simm.s32 $0x30  }
0xb1: {  	vm0 =	vmmov vm1;
	v11 =	vld [tilespmem:s21+$0x19200]  }
0xb2: {  	[tilespmem:s22+$0x1A200] =	vst.msk vm0, v8;
	v8 =	vld [tilespmem:s21+$0x19A00]  }
0xb3: {  	v6 =	vld [tilespmem:s21+$0x1A000]  }
0xb4: {  	v4 =	vld [tilespmem:s19+$0x19A00];
	vm1 =	vmmov vm2;
	[tilespmem:s22+$0x1AA80] =	vst.msk vm0, v14  }
0xb5: {  	s23 =	simm.s32 $0x100;
	v3 =	vld [tilespmem:s19+$0x1A000];
	vm1 =	vmmov vm1;
	[tilespmem:s22+$0x1B300] =	vst.msk vm0, v15;
	vm0 =	vmmov vm3  }
.LBB2_10:
0xb6: {  	s24 =	sshra.s32 s23, $0x2;
	p0 =	sne.s32 s23, $0x7C0;
	s23 =	sadd.s32 $0x40, s23;
	v12 =	vsub.s32 v11, v2  }
.Ltmp5:
0xb7: {  	v11 =	vld [tilespmem:s24+$0x19200];
	vm2 =	vlt.u32 v12, $0xC800;
	s25 =	spop (v2sf);
	v13 =	vmov v8;
	(pc) =	sbr.rel @p0 .LBB2_10-.Ltmp5, $4  }
0xb8: {  	v8 =	vld [tilespmem:s24+$0x19A00];
	v14 =	vmpcnt.ones.xlane vm2;
	s22 =	sadd.s32 s22, s25;
	v15 =	vmov v6  }
0xb9: {  	v6 =	vld [tilespmem:s24+$0x1A000];
	[tilespmem:s22+$0x1A200] =	vst.msk vm1, v10;
	v10 =	vmov v9;
	v9 =	vmov v12  }
0xba: {  	(v2sf) =	vpush v14, $0x0;
	[tilespmem:s22+$0x1AA80] =	vst.msk vm1, v5;
	v5 =	vmov v4;
	v4 =	vmov v13  }
0xbb: {  	[tilespmem:s22+$0x1B300] =	vst.msk vm1, v7;
	v7 =	vmovc v3;
	v3 =	vmov v15;
	vm1 =	vmmov vm0;
	vm0 =	vmmov vm2  }
0xbc: {  	_ =	sdelay $0x6  }
0xbd: {  	v11 =	vsub.s32 v11, v2;
	s23 =	spop (v2sf)  }
0xbe: {  	v62 =	vld [tilespmem:s9+$0x19400];
	vm2 =	vlt.u32 v11, $0xC800;
	s22 =	sadd.s32 s22, s23  }
0xbf: {  	v12 =	vmpcnt.ones.xlane vm2;
	[tilespmem:s22+$0x1A200] =	vst.msk vm1, v10  }
0xc0: {  	s16 =	spop (v2sf);
	[tilespmem:s22+$0x1AA80] =	vst.msk vm1, v5  }
0xc1: {  	vm0 =	vmmov vm0;
	v10 =	vld [tilespmem:s20+$0x19400];
	[tilespmem:s22+$0x1B300] =	vst.msk vm1, v7;
	s22 =	sadd.s32 s22, s16;
	(v2sf) =	vpush v12, $0x0  }
0xc2: {  	v13 =	vld [tilespmem:s19+$0x19400];
	[tilespmem:s22+$0x1A200] =	vst.msk vm0, v9  }
0xc3: {  	vm1 =	vmmov vm2;
	[tilespmem:s22+$0x1AA80] =	vst.msk vm0, v4;
	v4 =	vsub.s32 v62, v2;
	s24 =	spop (v2sf)  }
0xc4: {  	[tilespmem:s22+$0x1B300] =	vst.msk vm0, v3;
	vm0 =	vmmov vm1;
	vm1 =	vlt.u32 v4, $0xC800;
	s25 =	sadd.s32 s22, s24  }
0xc5: {  	[tilespmem:s25+$0x1A200] =	vst.msk vm0, v11;
	v11 =	vmpcnt.ones.xlane vm1  }
0xc6: {  	v10 =	vsub.s32 v10, v2  }
0xc7: {  	v9 =	vsub.s32 v13, v2;
	vm2 =	vlt.u32 v10, $0xC800;
	(v2sf) =	vpush v11, $0x0  }
0xc8: {  	vm3 =	vlt.u32 v9, $0xC800;
	[tilespmem:s25+$0x1AA80] =	vst.msk vm0, v8;
	v8 =	vmpcnt.ones.xlane vm2  }
0xc9: {  	v63 =	vmpcnt.ones.xlane vm3  }
0xca: {  	(v2sf) =	vpush v8, $0x0  }
0xcb: {  	(v2sf) =	vpush v63, $0x0  }
0xcc: {  	v14 =	vld [tilespmem:s9+$0x19C00]  }
0xcd: {  	v15 =	vld [tilespmem:s9+$0x1A000]  }
0xce: {  	v7 =	vld [tilespmem:s20+$0x19C00]  }
0xcf: {  	v5 =	vld [tilespmem:s20+$0x1A000]  }
0xd0: {  	vm1 =	vmmov vm1;
	v11 =	vld [tilespmem:s21+$0x19400];
	s26 =	spop (v2sf)  }
0xd1: {  	[tilespmem:s25+$0x1B300] =	vst.msk vm0, v6;
	vm0 =	vmmov vm1;
	v8 =	vld [tilespmem:s21+$0x19C00];
	s9 =	sadd.s32 s25, s26  }
0xd2: {  	[tilespmem:s9+$0x1A200] =	vst.msk vm0, v4;
	v4 =	vld [tilespmem:s21+$0x1A000]  }
0xd3: {  	v3 =	vld [tilespmem:s19+$0x19C00];
	vm1 =	vmmov vm2;
	[tilespmem:s9+$0x1AA80] =	vst.msk vm0, v14  }
0xd4: {  	v6 =	vld [tilespmem:s19+$0x1A000];
	s19 =	simm.s32 $0x100;
	vm1 =	vmmov vm1;
	[tilespmem:s9+$0x1B300] =	vst.msk vm0, v15;
	vm0 =	vmmov vm3  }
.LBB2_12:
0xd5: {  	s20 =	sshra.s32 s19, $0x2;
	p0 =	sne.s32 s19, $0x7C0;
	s19 =	sadd.s32 $0x40, s19;
	v12 =	vsub.s32 v11, v2  }
.Ltmp6:
0xd6: {  	v11 =	vld [tilespmem:s20+$0x19400];
	vm2 =	vlt.u32 v12, $0xC800;
	s21 =	spop (v2sf);
	v13 =	vmov v8;
	(pc) =	sbr.rel @p0 .LBB2_12-.Ltmp6, $4  }
0xd7: {  	v8 =	vld [tilespmem:s20+$0x19C00];
	v14 =	vmpcnt.ones.xlane vm2;
	s9 =	sadd.s32 s9, s21;
	v15 =	vmov v4  }
0xd8: {  	v4 =	vld [tilespmem:s20+$0x1A000];
	[tilespmem:s9+$0x1A200] =	vst.msk vm1, v10;
	v10 =	vmov v9;
	v9 =	vmov v12  }
0xd9: {  	(v2sf) =	vpush v14, $0x0;
	[tilespmem:s9+$0x1AA80] =	vst.msk vm1, v7;
	v7 =	vmov v3;
	v3 =	vmov v13  }
0xda: {  	[tilespmem:s9+$0x1B300] =	vst.msk vm1, v5;
	v5 =	vmovc v6;
	v6 =	vmov v15;
	vm1 =	vmmov vm0;
	vm0 =	vmmov vm2  }
0xdb: {  	_ =	sdelay $0x6  }
0xdc: {  	v11 =	vsub.s32 v11, v2;
	s19 =	spop (v2sf);
	s20 =	simm.s32 $0x0  }
0xdd: {  	vm2 =	vlt.u32 v11, $0xC800;
	s9 =	sadd.s32 s9, s19;
	v62 =	vld [tilespmem:s20+$0x19600]  }
0xde: {  	v12 =	vmpcnt.ones.xlane vm2;
	[tilespmem:s9+$0x1A200] =	vst.msk vm1, v10  }
0xdf: {  	s23 =	simm.s32 $0x10;
	s21 =	spop (v2sf);
	[tilespmem:s9+$0x1AA80] =	vst.msk vm1, v7  }
0xe0: {  	s22 =	simm.s32 $0x20;
	vm0 =	vmmov vm0;
	v7 =	vld [tilespmem:s23+$0x19600];
	[tilespmem:s9+$0x1B300] =	vst.msk vm1, v5;
	s9 =	sadd.s32 s9, s21;
	(v2sf) =	vpush v12, $0x0  }
0xe1: {  	v13 =	vld [tilespmem:s22+$0x19600];
	[tilespmem:s9+$0x1A200] =	vst.msk vm0, v9  }
0xe2: {  	vm1 =	vmmov vm2;
	[tilespmem:s9+$0x1AA80] =	vst.msk vm0, v3;
	v12 =	vsub.s32 v62, v2;
	s24 =	spop (v2sf)  }
0xe3: {  	[tilespmem:s9+$0x1B300] =	vst.msk vm0, v6;
	vm0 =	vmmov vm1;
	vm1 =	vlt.u32 v12, $0xC800;
	s9 =	sadd.s32 s9, s24  }
0xe4: {  	[tilespmem:s9+$0x1A200] =	vst.msk vm0, v11;
	v11 =	vmpcnt.ones.xlane vm1  }
0xe5: {  	v10 =	vsub.s32 v7, v2  }
0xe6: {  	v7 =	vsub.s32 v13, v2;
	vm2 =	vlt.u32 v10, $0xC800;
	(v2sf) =	vpush v11, $0x0  }
0xe7: {  	vm3 =	vlt.u32 v7, $0xC800;
	[tilespmem:s9+$0x1AA80] =	vst.msk vm0, v8;
	v8 =	vmpcnt.ones.xlane vm2  }
0xe8: {  	v63 =	vmpcnt.ones.xlane vm3  }
0xe9: {  	(v2sf) =	vpush v8, $0x0  }
0xea: {  	(v2sf) =	vpush v63, $0x0  }
0xeb: {  	v14 =	vld [tilespmem:s20+$0x1A000]  }
0xec: {  	v9 =	vld [tilespmem:s20+$0x19E00]  }
0xed: {  	v5 =	vld [tilespmem:s23+$0x19E00]  }
0xee: {  	s26 =	simm.s32 $0x30;
	v6 =	vld [tilespmem:s23+$0x1A000]  }
0xef: {  	vm1 =	vmmov vm1;
	v11 =	vld [tilespmem:s26+$0x19600];
	s25 =	spop (v2sf)  }
0xf0: {  	[tilespmem:s9+$0x1B300] =	vst.msk vm0, v4;
	vm0 =	vmmov vm1;
	v8 =	vld [tilespmem:s26+$0x19E00];
	s9 =	sadd.s32 s9, s25  }
0xf1: {  	[tilespmem:s9+$0x1AA80] =	vst.msk vm0, v9;
	v9 =	vld [tilespmem:s26+$0x1A000]  }
0xf2: {  	v3 =	vld [tilespmem:s22+$0x19E00];
	vm1 =	vmmov vm2;
	[tilespmem:s9+$0x1A200] =	vst.msk vm0, v12  }
0xf3: {  	s19 =	simm.s32 $0x100;
	v4 =	vld [tilespmem:s22+$0x1A000];
	vm1 =	vmmov vm1;
	[tilespmem:s9+$0x1B300] =	vst.msk vm0, v14;
	vm0 =	vmmov vm3  }
.LBB2_14:
0xf4: {  	s20 =	sshra.s32 s19, $0x2;
	p0 =	sne.s32 s19, $0x7C0;
	s19 =	sadd.s32 $0x40, s19;
	v12 =	vsub.s32 v11, v2  }
.Ltmp7:
0xf5: {  	v11 =	vld [tilespmem:s20+$0x19600];
	vm2 =	vlt.u32 v12, $0xC800;
	s21 =	spop (v2sf);
	v13 =	vmov v8;
	(pc) =	sbr.rel @p0 .LBB2_14-.Ltmp7, $4  }
0xf6: {  	v8 =	vld [tilespmem:s20+$0x19E00];
	v14 =	vmpcnt.ones.xlane vm2;
	s9 =	sadd.s32 s9, s21;
	v15 =	vmov v9  }
0xf7: {  	v9 =	vld [tilespmem:s20+$0x1A000];
	[tilespmem:s9+$0x1A200] =	vst.msk vm1, v10;
	v10 =	vmov v7;
	v7 =	vmov v12  }
0xf8: {  	(v2sf) =	vpush v14, $0x0;
	[tilespmem:s9+$0x1AA80] =	vst.msk vm1, v5;
	v5 =	vmov v3;
	v3 =	vmov v13  }
0xf9: {  	[tilespmem:s9+$0x1B300] =	vst.msk vm1, v6;
	v6 =	vmovc v4;
	v4 =	vmov v15;
	vm1 =	vmmov vm0;
	vm0 =	vmmov vm2  }
0xfa: {  	v11 =	vsub.s32 v11, v2  }
0xfb: {  	vm2 =	vlt.u32 v11, $0xC800  }
0xfc: {  	v12 =	vmpcnt.ones.xlane vm2;
	_ =	sdelay $0x1  }
0xfd: {  	(v2sf) =	vpush v12, $0x0;
	_ =	sdelay $0xb  }
0xfe: {  	s19 =	spop (v2sf)  }
0xff: {  	s9 =	sadd.s32 s9, s19;
	s23 =	spop (v2sf)  }
0x100: {  	s20 =	sadd.s32 s9, s23;
	s24 =	spop (v2sf)  }
0x101: {  	s21 =	sadd.s32 s20, s24;
	s25 =	spop (v2sf)  }
0x102: {  	s19 =	sadd.s32 s21, s25  }
0x103: {  	s22 =	sadd.s32 $0x7F, s19  }
0x104: {  	[tilespmem:s9+$0x1A200] =	vst.msk vm1, v10;
	s23 =	sand.u32 $0x7F, s22  }
0x105: {  	[tilespmem:s9+$0x1AA80] =	vst.msk vm1, v5;
	s26 =	sshra.s32 s22, $0x1F;
	p1 =	slt.s32 s22, $0x1;
	p0 =	sne.s32 s23, $0x0  }
0x106: {  	[tilespmem:s9+$0x1B300] =	vst.msk vm1, v6;
	s9 =	sshrl.u32 s26, $0x19;
	p0 =	por !p1, !p0  }
0x107: {  	s9 =	sadd.s32 s9, s22;
	s22 =	simm.s32 $0x1;
	p0 =	por !p0, !p0  }
0x108: {  	s9 =	sshra.s32 s9, $0x7;
	s22 =	simm.s32 @!p0 $0x0  }
0x109: {  	vm0 =	vmmov vm0;
	s9 =	ssub.s32 s9, s22  }
0x10a: {  	[tilespmem:s20+$0x1A200] =	vst.msk vm0, v7;
	p0 =	slt.s32 s9, $0x1  }
.Ltmp8:
0x10b: {  	vm14 =	vmmov vm2;
	[tilespmem:s20+$0x1AA80] =	vst.msk vm0, v3;
	(pc) =	sbr.rel @p0 .LBB2_19-.Ltmp8, $4  }
0x10c: {  	[tilespmem:s20+$0x1B300] =	vst.msk vm0, v4;
	vm15 =	vmmov vm14  }
0x10d: {  	[tilespmem:s21+$0x1A200] =	vst.msk vm15, v11  }
0x10e: {  	[tilespmem:s21+$0x1AA80] =	vst.msk vm15, v8  }
0x10f: {  	s20 =	simm.s32 $0x0;
	[tilespmem:s21+$0x1B300] =	vst.msk vm15, v9;
	s21 =	simm.s32 $0x0  }
.LBB2_16:
0x110: {  	s22 =	sshll.u32 s21, $0x7  }
0x111: {  	v3 =	vmov s20;
	s23 =	sadd.s32 $0x1B300, s22  }
0x112: {  	[tilespmem:s5], [sflag:$0x1] =	stream.indirect.gather [hbm4b:s6+s2], $0x20, s23, s2, $0xb8;
	[tilespmem:$0x1E500] =	vst v63  }
0x113: {  	_ =	swait.ge [sflag:s11], $0x1000  }
0x114: {  	[sflag:s11] =	ssyncset.done $0x0  }
0x115: {  	[sflag:s11] =	ssyncadd.s32 $0xFFFFF000  }
0x116: {  	s23 =	simm.s32 $0x0;
	v3 =	vld.idx.msk [tilespmem:v3+s12+$0x0], $0xffff  }
0x117: {  	v4 =	vld [tilespmem:s23+$0x1BC00]  }
0x118: {  	s25 =	sadd.s32 $0x1, s20;
	v6 =	vld [tilespmem:s23+$0x1BC10]  }
0x119: {  	v5 =	vmov s25  }
0x11a: {  	s24 =	simm.s32 $0x80;
	s26 =	simm.s32 $0x100  }
.LBB2_17:
0x11b: {  	p0 =	seq.s32 s26, $0x3F80  }
0x11c: {  	v4 =	vmul.f32 v4, v3  }
0x11d: {  	v6 =	vmul.f32 v6, v3  }
.Ltmp9:
0x11e: {  	s16 =	sshra.s32 s24, $0x2;
	s24 =	smov.u32 s26;
	v3 =	vld.idx.msk [tilespmem:v5+s12+$0x0], $0xffff;
	[tilespmem:s23+$0x1BC00] =	vst v4;
	(pc) =	sbr.rel @!p0 .LBB2_17-.Ltmp9, $4  }
0x11f: {  	v4 =	vld [tilespmem:s16+$0x1BC00];
	[tilespmem:s23+$0x1BC10] =	vst v6;
	s23 =	smov.u32 s16  }
0x120: {  	s25 =	sadd.s32 $0x1, s25;
	v6 =	vld [tilespmem:s23+$0x1BC10]  }
0x121: {  	v5 =	vmov s25  }
0x122: {  	s26 =	sadd.s32 $0x80, s26  }
0x123: {  	_ =	sdelay $0x1  }
0x124: {  	v4 =	vmul.f32 v4, v3  }
0x125: {  	v3 =	vmul.f32 v6, v3  }
0x126: {  	s16 =	sshra.s32 s24, $0x2;
	v5 =	vld.idx.msk [tilespmem:v5+s12+$0x0], $0xffff;
	[tilespmem:s23+$0x1BC00] =	vst v4  }
0x127: {  	v4 =	vld [tilespmem:s16+$0x1BC00];
	[tilespmem:s23+$0x1BC10] =	vst v3  }
0x128: {  	v3 =	vld [tilespmem:s16+$0x1BC10];
	_ =	sdelay $0x3  }
0x129: {  	v59 =	vld [tilespmem:s22+$0x1A210]  }
0x12a: {  	v60 =	vld [tilespmem:s22+$0x1A220];
	v3 =	vmul.f32 v3, v5  }
0x12b: {  	v61 =	vld [tilespmem:s22+$0x1A230]  }
0x12c: {  	[tilespmem:s16+$0x1BC10] =	vst v3;
	v3 =	vld [tilespmem:s22+$0x1A200]  }
0x12d: {  	v7 =	vld [tilespmem:s22+$0x1A240]  }
0x12e: {  	v62 =	vld [tilespmem:s22+$0x1A260];
	[tilespmem:$0x1BB90] =	vst v59  }
0x12f: {  	v63 =	vld [tilespmem:s22+$0x1A270];
	[tilespmem:$0x1BBA0] =	vst v60  }
0x130: {  	[tilespmem:$0x1BBB0] =	vst v61  }
0x131: {  	[tilespmem:$0x1BB80] =	vst v3;
	v3 =	vld [tilespmem:s22+$0x1A250]  }
0x132: {  	[tilespmem:$0x1BBC0] =	vst v7  }
0x133: {  	[tilespmem:$0x1BBE0] =	vst v62;
	v4 =	vmul.f32 v4, v5  }
0x134: {  	s21 =	sadd.s32 $0x1, s21;
	[tilespmem:$0x1BBF0] =	vst v63  }
0x135: {  	p0 =	seq.s32 s21, s9;
	[tilespmem:s16+$0x1BC00] =	vst v4  }
.Ltmp10:
0x136: {  	[tilespmem:$0x1BBD0] =	vst v3;
	(pc) =	sbr.rel @!p0 .LBB2_16-.Ltmp10, $4  }
0x137: {  	[spmem:s3] =	stream.indirect.scatter.add.f32 [tilespmem:s5], [sflag:$0x3], $0x20, s13, s2, $0xb8;
	[tilespmem:$0x1E500] =	vst v63  }
0x138: {  	_ =	swait.ge [sflag:s29], $0x1000  }
0x139: {  	[sflag:s29] =	ssyncset.done $0x0  }
0x13a: {  	s20 =	sadd.s32 $0x80, s20;
	[sflag:s29] =	ssyncadd.s32 $0xFFFFF000  }
.LBB2_19:
0x13b: {  	s9 =	sadd.s32 $0xF, s19  }
0x13c: {  	s16 =	sand.u32 $0xF, s9  }
0x13d: {  	s19 =	sshra.s32 s9, $0x1F;
	p0 =	slt.s32 s9, $0x1;
	p1 =	sne.s32 s16, $0x0  }
0x13e: {  	s26 =	sshrl.u32 s19, $0x1C;
	p0 =	por !p0, !p1  }
0x13f: {  	s16 =	simm.s32 $0x1;
	s9 =	sadd.s32 s26, s9;
	p0 =	por !p0, !p0  }
0x140: {  	s9 =	sshra.s32 s9, $0x4;
	s16 =	simm.s32 @!p0 $0x0  }
0x141: {  	s21 =	ssub.s32 s9, s16  }
0x142: {  	p0 =	slt.s32 s21, $0x1  }
.Ltmp11:
0x143: {  	_ = 	snop;
	(pc) =	sbr.rel @p0 .LBB2_23-.Ltmp11, $1  }
0x144: {  	_ =	sdelay $0x3  }
0x145: {  	p0 =	sne.s32 s21, $0x1  }
.Ltmp12:
0x146: {  	_ = 	snop;
	(pc) =	sbr.rel @!p0 .LBB2_22-.Ltmp12, $4  }
0x147: {  	_ = 	snop  }
0x148: {  	s9 =	simm.s32 $0x1A200  }
0x149: {  	s19 =	simm.s32 $0x1B300;
	[tilespmem:s9+$0x0] =	vst v1  }
0x14a: {  	s20 =	simm.s32 $0x1AA80;
	s21 =	sadd.s32 $0xFFFFFFFF, s21;
	[tilespmem:s19+$0x0] =	vst v1  }
.LBB2_21:
0x14b: {  	s9 =	sadd.s32 $0x10, s9  }
0x14c: {  	[tilespmem:s20+$0x0] =	vst v0;
	s20 =	sadd.s32 $0x10, s20;
	s19 =	sadd.s32 $0x10, s19;
	p0 =	sne.s32 s21, $0x1  }
.Ltmp13:
0x14d: {  	s21 =	sadd.s32 $0xFFFFFFFF, s21;
	[tilespmem:s9+$0x0] =	vst v1;
	(pc) =	sbr.rel @p0 .LBB2_21-.Ltmp13, $2  }
0x14e: {  	_ =	sdelay $0x2  }
0x14f: {  	[tilespmem:s19+$0x0] =	vst v1  }
.Ltmp14:
0x150: {  	_ = 	snop;
	(pc) =	sbr.rel .LBB2_22-.Ltmp14, $1  }
0x151: {  	_ =	sdelay $0x3  }
.LBB2_24:
0x152: {  	s9 =	simm.s32 $0x0  }
0x153: {  	[bflag:$0x0] =	sbarrier.arrive $0xFFFF;
	s9 =	sand.u32 $0xF, s9  }
0x154: {  	s18 =	simm.s32 $0x0;
	s17 =	simm.s32 $0x1;
	s16 =	smul.u32 $0xC8, s9  }
0x155: {  	s20 =	simm.s32 $0x0;
	s24 =	stileid.u32;
	s21 =	rddreg [dreg:$0x17]  }
0x156: {  	s18 =	smul.u32 $0x145000, s18;
	s9 =	sadd.s32 s8, s21;
	s19 =	sadd.s32 s8, s16  }
0x157: {  	s23 =	sand.u32 $0x3FFFFFF8, s20;
	s16 =	sadd.s32 s16, s9;
	s19 =	sshll.u32 s19, $0x5  }
0x158: {  	s20 =	sshll.u32 s24, $0x6;
	s16 =	sadd.s32 s18, s16;
	s22 =	sadd.s32 s19, s3  }
0x159: {  	s26 =	sand.u32 $0xF, s17;
	s16 =	sand.u32 $0x1FFFFFF8, s16;
	s18 =	sadd.s32 s23, s22  }
0x15a: {  	s25 =	sadd.s32 s7, s16;
	s16 =	sor.u32 $0x1C03, s20;
	s18 =	sshrl.u32 s18, $0x3  }
0x15b: {  	[hbm:s25@s11], [sflag:s16] =	dma.strided [spmem:s18@s14], $0xC8, s11, $0x1   }
0x15c: {  	s19 =	smul.u32 $0xC8, s26;
	_ =	swait.ge [sflag:s29], $0xC8  }
0x15d: {  	s20 =	simm.s32 $0x0;
	s18 =	simm.s32 $0x2;
	[sflag:s29] =	ssyncset.done $0x0  }
.LBB2_25:
0x15e: {  	s20 =	smul.u32 $0x145000, s20  }
0x15f: {  	[sflag:s29] =	ssyncadd.s32 $0xFFFFFF38;
	s21 =	smov.u32 s18;
	s22 =	sadd.s32 $0x1, s18  }
0x160: {  	s17 =	sshrl.u32 s17, $0x1;
	s23 =	sadd.s32 s19, s9;
	s19 =	sadd.s32 s8, s19  }
0x161: {  	p0 =	sne.s32 s18, $0x3F;
	s20 =	sadd.s32 s20, s23;
	s19 =	sshll.u32 s19, $0x5  }
0x162: {  	s17 =	sand.u32 $0x3FFFFFF8, s17;
	s20 =	sand.u32 $0x1FFFFFF8, s20;
	s19 =	sadd.s32 s19, s3  }
.Ltmp15:
0x163: {  	s20 =	sadd.s32 s7, s20;
	s17 =	sadd.s32 s17, s19;
	(pc) =	sbr.rel @p0 .LBB2_25-.Ltmp15, $4  }
0x164: {  	s18 =	sand.u32 $0xF, s21;
	s17 =	sshrl.u32 s17, $0x3  }
0x165: {  	[hbm:s20@s11], [sflag:s16] =	dma.strided [spmem:s17@s14], $0xC8, s11, $0x1   }
0x166: {  	s19 =	smul.u32 $0xC8, s18;
	s17 =	smov.u32 s21;
	_ =	swait.ge [sflag:s29], $0xC8  }
0x167: {  	s18 =	smov.u32 s22;
	s20 =	sshrl.u32 s17, $0x4;
	[sflag:s29] =	ssyncset.done $0x0  }
0x168: {  	s18 =	smul.u32 $0x145000, s20;
	s24 =	sadd.s32 s8, s19;
	s9 =	sadd.s32 s19, s9  }
0x169: {  	s17 =	sshrl.u32 s17, $0x1;
	[sflag:s29] =	ssyncadd.s32 $0xFFFFFF38;
	s25 =	sshll.u32 s24, $0x5  }
0x16a: {  	s17 =	sand.u32 $0x3FFFFFF8, s17;
	s9 =	sadd.s32 s18, s9;
	s26 =	sadd.s32 s25, s3  }
0x16b: {  	s15 =	sadd.s32 $0x1, s15;
	s9 =	sand.u32 $0x1FFFFFF8, s9;
	s17 =	sadd.s32 s17, s26  }
0x16c: {  	p0 =	sne.s32 s15, $0xD;
	s9 =	sadd.s32 s7, s9;
	s17 =	sshrl.u32 s17, $0x3  }
0x16d: {  	[hbm:s9@s11], [sflag:s16] =	dma.strided [spmem:s17@s14], $0xC8, s11, $0x1   }
.Ltmp16:
0x16e: {  	_ =	swait.ge [sflag:s29], $0xC8;
	(pc) =	sbr.rel @p0 .LBB2_6-.Ltmp16, $3  }
0x16f: {  	[sflag:s29] =	ssyncset.done $0x0  }
0x170: {  	[sflag:s29] =	ssyncadd.s32 $0xFFFFFF38  }
0x171: {  	[bflag:$0x0] =	sbarrier.arrive $0xFFFF;
	_ =	sdelay $0x1  }
0x172: {  	s15 =	rddreg [dreg:$0x16]  }
0x173: {  	s9 =	rddreg [dreg:$0x6];
	s15 =	sadd.s32 $0x1, s15  }
0x174: {  	p0 =	sne.s32 s15, s9  }
.Ltmp17:
0x175: {  	_ = 	snop;
	(pc) =	sbr.rel @p0 .LBB2_1-.Ltmp17, $1  }
0x176: {  	_ =	sdelay $0x3  }
0x177: {  	_ =	sfence.sel $0x180000  }
0x178: {  	[bflag:$0x0] =	sbarrier.arrive $0xFFFF  }
0x179: {  	_ =	strace $0x90000047  }
0x17a: {  	s0 =	stileid.u32;
	[bflag:$0x2] =	sbarrier.arrive $0xFFFF  }
0x17b: {  	p0 =	sne.s32 s0, $0x0;
	s0 =	rddreg [dreg:$0x3]  }
0x17c: {  	s0 =	sadd.s32 @!p0 $0x100000, s0  }
0x17d: {  	[sflag:s0] =	ssyncadd.tile.s32 @!p0 $0x1;
	_ =	shalt  }
.Lfunc_end2:
_tile_overlayer_lowered:
.L_overlay_start_2:
0x17e: {  	(tag) =	ssettag $0x2  }
0x17f: {  	s0 =	rddreg [dreg:$0x0];
	s2 =	stileid.u32  }
0x180: {  	s1 =	rddreg [dreg:$0x1];
	p0 =	sne.s32 s2, $0x0  }
0x181: {  	s3 =	rddreg [dreg:$0x2];
	[bflag:$0x3] =	sbarrier.arrive $0xFFFF;
	s2 =	simm.s32 @!p0 $0x1C03  }
0x182: {  	[timem:s3], [sflag:s2] =	dma.local @!p0 [hbm:s0], s1  }
0x183: {  	s0 =	simm.s32 @!p0 $0x3  }
0x184: {  	_ =	swait.ge @!p0 [sflag:s0], s1  }
0x185: {  	s1 =	ssub.s32 @!p0 $0x0, s1;
	[sflag:s0] =	ssyncset.done @!p0 $0x0  }
0x186: {  	[sflag:s0] =	ssyncadd.s32 @!p0 s1  }
0x187: {  	[bflag:$0x3] =	sbarrier.arrive $0xFFFF  }
0x188: {  	_ =	shalt  }

</sc_bundles>
